<compile_context>
chip_gen: v7x
topology: tpu7x:2x2x1
jax: 0.10.2.dev20260603
libtpu: 0.0.44.dev20260713+nightly
codegen_flags: <defaults>
</compile_context>

<pallas_src>
import dataclasses

import jax
import jax.numpy as jnp
from jax import lax
from jax.experimental import pallas as pl
from jax.experimental.pallas import tpu as pltpu
from jax.experimental.pallas import tpu_sc as plsc

N = 10000
E = 320000
D = 128
CHUNK = 128
NTILES = 32
CPT = 80
NCHUNKS = NTILES * CPT
EP = NCHUNKS * CHUNK
SH_ROWS = 10112
ZPT = SH_ROWS // 16
WPT = 624

_MESH = plsc.VectorSubcoreMesh(core_axis_name="c", subcore_axis_name="s")


def _writeout(shared, out, c, s):
    wbase = s * WPT
    pltpu.sync_copy(shared.at[pl.ds(wbase, WPT)],
                    out.at[c].at[pl.ds(wbase, WPT)])

    @pl.when(s == 15)
    def _():
        last = 16 * WPT
        pltpu.sync_copy(shared.at[pl.ds(last, N - last)],
                        out.at[c].at[pl.ds(last, N - last)])


HIST = 10240

_CP_NO_LAYOUT = pltpu.CompilerParams()
if "needs_layout_passes" in pltpu.CompilerParams.__dataclass_fields__:
    _CP_NO_LAYOUT = dataclasses.replace(_CP_NO_LAYOUT,
                                        needs_layout_passes=False)



HPASS = CPT // 2


def _sc_deg_body(dst_hbm, deg_out, dst_v, hist_v):
    c = lax.axis_index("c")
    s = lax.axis_index("s")
    w = c * 16 + s

    @pl.loop(0, HIST, step=16)
    def _(i):
        hist_v[pl.ds(i, 16)] = jnp.zeros((16,), jnp.float32)

    pltpu.sync_copy(dst_hbm.at[pl.ds(w * CPT, CPT)], dst_v)
    ones16 = jnp.ones((16,), jnp.float32)

    @pl.loop(0, CPT)
    def _(j):
        @pl.loop(0, CHUNK, step=16)
        def _(k):
            iv = dst_v[j, pl.ds(k, 16)]
            plsc.addupdate_scatter(hist_v, [iv], ones16)

    pltpu.sync_copy(hist_v, deg_out.at[w])


_sc_deg_kernel = pl.kernel(
    _sc_deg_body,
    out_type=[jax.ShapeDtypeStruct((NTILES, HIST), jnp.float32)],
    mesh=_MESH,
    compiler_params=_CP_NO_LAYOUT,
    scratch_types=[
        pltpu.VMEM((CPT, CHUNK), jnp.int32),
        pltpu.VMEM((HIST,), jnp.float32),
    ],
)


def _sc_agg_body(h_hbm, src_hbm, dst_hbm, agg_out, src_v, dst_v,
                 rows_a, rows_b, sem_a, sem_b, agg_sh):
    c = lax.axis_index("c")
    s = lax.axis_index("s")
    w = c * 16 + s

    @pl.loop(0, CHUNK)
    def _(i):
        @pl.loop(0, D, step=16)
        def _(j):
            rows_a[i, pl.ds(j, 16)] = jnp.zeros((16,), jnp.float32)

    for k in range(4):
        pltpu.sync_copy(rows_a, agg_sh.at[pl.ds(s * ZPT + k * CHUNK,
                                                CHUNK)])
    tail = ZPT - 4 * CHUNK
    pltpu.sync_copy(rows_a.at[pl.ds(0, tail)],
                    agg_sh.at[pl.ds(s * ZPT + 4 * CHUNK, tail)])
    plsc.subcore_barrier()

    def gather(k, buf, sem):
        pltpu.async_copy(h_hbm.at[src_v.at[k]], buf, sem)

    def wait_gather(k, buf, sem):
        pltpu.make_async_copy(h_hbm.at[src_v.at[k]], buf, sem).wait()

    for half in range(2):
        base = w * CPT + half * HPASS
        pltpu.sync_copy(src_hbm.at[pl.ds(base, HPASS)], src_v)
        pltpu.sync_copy(dst_hbm.at[pl.ds(base, HPASS)], dst_v)

        gather(0, rows_a, sem_a)

        @pl.loop(0, HPASS, step=2)
        def _(j):
            wait_gather(j, rows_a, sem_a)
            gather(j + 1, rows_b, sem_b)
            pltpu.sync_copy(rows_a, agg_sh.at[dst_v.at[j]], add=True)

            @pl.when(j + 2 < HPASS)
            def _():
                gather(j + 2, rows_a, sem_a)

            wait_gather(j + 1, rows_b, sem_b)
            pltpu.sync_copy(rows_b, agg_sh.at[dst_v.at[j + 1]], add=True)

    plsc.subcore_barrier()
    _writeout(agg_sh, agg_out, c, s)


_sc_agg_kernel = pl.kernel(
    _sc_agg_body,
    out_type=[jax.ShapeDtypeStruct((2, N, D), jnp.float32)],
    mesh=_MESH,
    scratch_types=[
        pltpu.VMEM((HPASS, CHUNK), jnp.int32),
        pltpu.VMEM((HPASS, CHUNK), jnp.int32),
        pltpu.VMEM((CHUNK, D), jnp.float32),
        pltpu.VMEM((CHUNK, D), jnp.float32),
        pltpu.SemaphoreType.DMA,
        pltpu.SemaphoreType.DMA,
        pltpu.VMEM_SHARED((SH_ROWS, D), jnp.float32),
    ],
)


def _tc_body(h_ref, a0_ref, a1_ref, d_ref, ws_ref, wn_ref, b_ref, o_ref):
    agg = a0_ref[...] + a1_ref[...]
    deg = jnp.sum(d_ref[...], axis=1, keepdims=True)
    mean = agg / jnp.maximum(deg, 1.0)
    out = jnp.dot(h_ref[...], ws_ref[...], preferred_element_type=jnp.float32,
                  precision=jax.lax.Precision.HIGHEST)
    out = out + jnp.dot(mean, wn_ref[...],
                        preferred_element_type=jnp.float32,
                        precision=jax.lax.Precision.HIGHEST)
    out = out + b_ref[...]
    o_ref[...] = jnp.maximum(out, 0.0)


def _tc_combine(h, agg, dcol, W_self, W_neigh, b):
    R = 1000
    return pl.pallas_call(
        _tc_body,
        grid=(N // R,),
        in_specs=[
            pl.BlockSpec((R, D), lambda i: (i, 0)),
            pl.BlockSpec((R, D), lambda i: (i, 0)),
            pl.BlockSpec((R, D), lambda i: (i, 0)),
            pl.BlockSpec((R, NTILES), lambda i: (i, 0)),
            pl.BlockSpec((D, D), lambda i: (0, 0)),
            pl.BlockSpec((D, D), lambda i: (0, 0)),
            pl.BlockSpec((1, D), lambda i: (0, 0)),
        ],
        out_specs=pl.BlockSpec((R, D), lambda i: (i, 0)),
        out_shape=jax.ShapeDtypeStruct((N, D), jnp.float32),
    )(h, agg[0], agg[1], dcol, W_self, W_neigh, b.reshape(1, D))


def _pad_edges(edge_index):
    npad = EP - E
    pad_src = jnp.arange(npad, dtype=jnp.int32) % N
    pad_dst = N + (jnp.arange(npad, dtype=jnp.int32) % 16)
    src = jnp.concatenate([edge_index[0].astype(jnp.int32), pad_src])
    dst = jnp.concatenate([edge_index[1].astype(jnp.int32), pad_dst])
    return src.reshape(NCHUNKS, CHUNK), dst.reshape(NCHUNKS, CHUNK)


def kernel(x, edge_index, W1_self, W1_neigh, b1, W2_self, W2_neigh, b2):
    src, dst = _pad_edges(edge_index)
    (degp,) = _sc_deg_kernel(dst)
    dcol = jnp.transpose(degp)[:N]
    (agg1,) = _sc_agg_kernel(x, src, dst)
    h1 = _tc_combine(x, agg1, dcol, W1_self, W1_neigh, b1)
    (agg2,) = _sc_agg_kernel(h1, src, dst)
    h2 = _tc_combine(h1, agg2, dcol, W2_self, W2_neigh, b2)
    return h2

# --- scband reference (transcript-rebuilt; emitter-appended) ---
"""Pipeline reference for scband-sage-55516747268115 (READ-ONLY COPY).

The authoritative reference and input builder live on the scoring server;
editing this copy changes nothing except your own understanding.
"""

import jax, jax.numpy as jnp
import numpy as np

N_NODES = 10000
N_EDGES = 320000
D = 128

def setup_inputs(seed: int = 0) -> dict:
    key = jax.random.key(seed)
    ks = jax.random.split(key, 9)
    x = jax.random.normal(ks[0], (N_NODES, D), dtype=jnp.float32)
    edge_index = jax.random.randint(ks[1], (2, N_EDGES), 0, N_NODES, dtype=jnp.int64)
    s = 1.0 / np.sqrt(D)
    W1_self = jax.random.uniform(ks[2], (D, D), dtype=jnp.float32, minval=-s, maxval=s)
    W1_neigh = jax.random.uniform(ks[3], (D, D), dtype=jnp.float32, minval=-s, maxval=s)
    b1 = jax.random.uniform(ks[4], (D,), dtype=jnp.float32, minval=-s, maxval=s)
    W2_self = jax.random.uniform(ks[5], (D, D), dtype=jnp.float32, minval=-s, maxval=s)
    W2_neigh = jax.random.uniform(ks[6], (D, D), dtype=jnp.float32, minval=-s, maxval=s)
    b2 = jax.random.uniform(ks[7], (D,), dtype=jnp.float32, minval=-s, maxval=s)
    return {"x": x, "edge_index": edge_index, "W1_self": W1_self, "W1_neigh": W1_neigh, "b1": b1, "W2_self": W2_self, "W2_neigh": W2_neigh, "b2": b2}

def _sage_layer(h, edge_index, W_self, W_neigh, b, act):
    src = edge_index[0]
    dst = edge_index[1]
    msgs = jnp.take(h, src, axis=0)                      # gather neighbor features (SparseCore gather)
    agg = jax.ops.segment_sum(msgs, dst, num_segments=N_NODES)   # scatter-add by dst
    deg = jax.ops.segment_sum(jnp.ones((msgs.shape[0],), dtype=h.dtype), dst, num_segments=N_NODES)
    mean = agg / jnp.clip(deg, 1.0)[:, None]             # mean aggregator
    out = h @ W_self + mean @ W_neigh + b                # dropout=0.0 (eval), identity
    return act(out)

def reference(x, edge_index, W1_self, W1_neigh, b1, W2_self, W2_neigh, b2):
    h = _sage_layer(x, edge_index, W1_self, W1_neigh, b1, jax.nn.relu)
    h = _sage_layer(h, edge_index, W2_self, W2_neigh, b2, jax.nn.relu)
    return h

if __name__ == "__main__":
    import jax
    _d = setup_inputs()
    print(jax.jit(kernel)(*tuple(_d.values())))

</pallas_src>

<mosaic_0001>
#map = affine_map<(d0, d1) -> (0, 0)>
#map1 = affine_map<(d0, d1) -> (0, 0, 0)>
module attributes {stable_mosaic.version = 14 : i64} {
  func.func @_sc_agg_body(%arg0: i32, %arg1: i32, %arg2: memref<10000x128xf32, #tpu.memory_space<hbm>>, %arg3: memref<2560x128xi32, #tpu.memory_space<hbm>>, %arg4: memref<2560x128xi32, #tpu.memory_space<hbm>>, %arg5: memref<2x10000x128xf32, #tpu.memory_space<hbm>>, %arg6: memref<40x128xi32, #tpu.memory_space<vmem>>, %arg7: memref<40x128xi32, #tpu.memory_space<vmem>>, %arg8: memref<128x128xf32, #tpu.memory_space<vmem>>, %arg9: memref<128x128xf32, #tpu.memory_space<vmem>>, %arg10: memref<!tpu.dma_semaphore, #tpu.memory_space<semaphore_mem>>, %arg11: memref<!tpu.dma_semaphore, #tpu.memory_space<semaphore_mem>>, %arg12: memref<10112x128xf32, #tpu.memory_space<vmem_shared>>) attributes {dimension_semantics = [#tpu.dimension_semantics<core_parallel>, #tpu.dimension_semantics<subcore_parallel>], iteration_bounds = array<i64: 2, 16>, scalar_prefetch = 0 : i64, scratch_operands = 7 : i64, tpu.core_type = #tpu.core_type<sc_vector_subcore>, window_params = [{transform_indices = #map}, {transform_indices = #map}, {transform_indices = #map}, {transform_indices = #map1}]} {
    %mul3A = arith.constant 16 : i32
    %mul3A_0 = arith.muli %arg0, %mul3A : i32
    %add3A = arith.addi %mul3A_0, %arg1 : i32
    %scan3A = arith.constant 0 : i32
    %scan3A_1 = arith.constant 128 : i32
    %scan3A_2 = arith.addi %scan3A, %scan3A_1 : i32
    %scan3A_3 = arith.constant 1 : i32
    scf.for %scan3A_61 = %scan3A to %scan3A_2 step %scan3A_3  : i32 {
      %mul3A_62 = arith.constant 1 : i32
      %mul3A_63 = arith.muli %scan3A_61, %mul3A_62 : i32
      %add3A_64 = arith.constant 0 : i32
      %add3A_65 = arith.addi %add3A_64, %mul3A_63 : i32
      %scan3A_66 = arith.constant 0 : i32
      %scan3A_67 = arith.constant 8 : i32
      %scan3A_68 = arith.addi %scan3A_66, %scan3A_67 : i32
      %scan3A_69 = arith.constant 1 : i32
      scf.for %scan3A_71 = %scan3A_66 to %scan3A_68 step %scan3A_69  : i32 {
        %mul3A_72 = arith.constant 16 : i32
        %mul3A_73 = arith.muli %scan3A_71, %mul3A_72 : i32
        %add3A_74 = arith.constant 0 : i32
        %add3A_75 = arith.addi %add3A_74, %mul3A_73 : i32
        %broadcast_in_dim3A = arith.constant 0.000000e+00 : f32
        %broadcast_in_dim3A_76 = vector.broadcast %broadcast_in_dim3A : f32 to vector<16xf32>
        %swap3A = arith.index_cast %add3A_65 : i32 to index
        %swap3A_77 = arith.index_cast %add3A_75 : i32 to index
        %swap3A_78 = tpu.vector_load %arg8[%swap3A, %swap3A_77] {strides = array<i32>} : memref<128x128xf32, #tpu.memory_space<vmem>>, vector<1x16xf32>,
        %swap3A_79 = vector.shape_cast %swap3A_78 : vector<1x16xf32> to vector<16xf32>
        %swap3A_80 = vector.shape_cast %broadcast_in_dim3A_76 : vector<16xf32> to vector<1x16xf32>
        tpu.vector_store %arg8[%swap3A, %swap3A_77], %swap3A_80 {strides = array<i32>} : memref<128x128xf32, #tpu.memory_space<vmem>>, vector<1x16xf32>,
      }
      %scan3A_70 = arith.constant 8 : i32
    }
    %scan3A_4 = arith.constant 128 : i32
    %mul3A_5 = arith.constant 632 : i32
    %mul3A_6 = arith.muli %arg1, %mul3A_5 : i32
    %add3A_7 = arith.constant 0 : i32
    %add3A_8 = arith.addi %mul3A_6, %add3A_7 : i32
    "tpu.region"() ({
      %run_scoped3A = tpu.sem_alloc : memref<!tpu.dma_semaphore, #tpu.memory_space<semaphore_mem>>
      %dma_start3A_61 = arith.constant 0 : i32
      %dma_start3A_62 = tpu.memref_slice %arg12[%add3A_8, %dma_start3A_61] : memref<10112x128xf32, #tpu.memory_space<vmem_shared>> -> memref<128x128xf32, #tpu.memory_space<vmem_shared>>
      %dma_start3A_63 = arith.constant 0 : i32
      %dma_start3A_64 = tpu.memref_slice %arg12[%add3A_8, %dma_start3A_63] : memref<10112x128xf32, #tpu.memory_space<vmem_shared>> -> memref<128x128xf32, #tpu.memory_space<vmem_shared>>
      tpu.enqueue_dma source(%arg8 : memref<128x128xf32, #tpu.memory_space<vmem>>) target(%dma_start3A_64 : memref<128x128xf32, #tpu.memory_space<vmem_shared>>) target_semaphore(%run_scoped3A : memref<!tpu.dma_semaphore, #tpu.memory_space<semaphore_mem>>)
      %dma_wait3A = arith.constant 0 : i32
      %dma_wait3A_65 = tpu.memref_slice %arg12[%add3A_8, %dma_wait3A] : memref<10112x128xf32, #tpu.memory_space<vmem_shared>> -> memref<128x128xf32, #tpu.memory_space<vmem_shared>>
      %dma_wait3A_66 = arith.constant 0 : i32
      %dma_wait3A_67 = tpu.memref_slice %arg12[%add3A_8, %dma_wait3A_66] : memref<10112x128xf32, #tpu.memory_space<vmem_shared>> -> memref<128x128xf32, #tpu.memory_space<vmem_shared>>
      tpu.wait_dma2 semaphore(%run_scoped3A : memref<!tpu.dma_semaphore, #tpu.memory_space<semaphore_mem>>) src(%arg8 : memref<128x128xf32, #tpu.memory_space<vmem>>) dst(%dma_wait3A_67 : memref<128x128xf32, #tpu.memory_space<vmem_shared>>)
      tpu.yield
    }) : () -> ()
    %mul3A_9 = arith.constant 632 : i32
    %mul3A_10 = arith.muli %arg1, %mul3A_9 : i32
    %add3A_11 = arith.constant 128 : i32
    %add3A_12 = arith.addi %mul3A_10, %add3A_11 : i32
    "tpu.region"() ({
      %run_scoped3A = tpu.sem_alloc : memref<!tpu.dma_semaphore, #tpu.memory_space<semaphore_mem>>
      %dma_start3A_61 = arith.constant 0 : i32
      %dma_start3A_62 = tpu.memref_slice %arg12[%add3A_12, %dma_start3A_61] : memref<10112x128xf32, #tpu.memory_space<vmem_shared>> -> memref<128x128xf32, #tpu.memory_space<vmem_shared>>
      %dma_start3A_63 = arith.constant 0 : i32
      %dma_start3A_64 = tpu.memref_slice %arg12[%add3A_12, %dma_start3A_63] : memref<10112x128xf32, #tpu.memory_space<vmem_shared>> -> memref<128x128xf32, #tpu.memory_space<vmem_shared>>
      tpu.enqueue_dma source(%arg8 : memref<128x128xf32, #tpu.memory_space<vmem>>) target(%dma_start3A_64 : memref<128x128xf32, #tpu.memory_space<vmem_shared>>) target_semaphore(%run_scoped3A : memref<!tpu.dma_semaphore, #tpu.memory_space<semaphore_mem>>)
      %dma_wait3A = arith.constant 0 : i32
      %dma_wait3A_65 = tpu.memref_slice %arg12[%add3A_12, %dma_wait3A] : memref<10112x128xf32, #tpu.memory_space<vmem_shared>> -> memref<128x128xf32, #tpu.memory_space<vmem_shared>>
      %dma_wait3A_66 = arith.constant 0 : i32
      %dma_wait3A_67 = tpu.memref_slice %arg12[%add3A_12, %dma_wait3A_66] : memref<10112x128xf32, #tpu.memory_space<vmem_shared>> -> memref<128x128xf32, #tpu.memory_space<vmem_shared>>
      tpu.wait_dma2 semaphore(%run_scoped3A : memref<!tpu.dma_semaphore, #tpu.memory_space<semaphore_mem>>) src(%arg8 : memref<128x128xf32, #tpu.memory_space<vmem>>) dst(%dma_wait3A_67 : memref<128x128xf32, #tpu.memory_space<vmem_shared>>)
      tpu.yield
    }) : () -> ()
    %mul3A_13 = arith.constant 632 : i32
    %mul3A_14 = arith.muli %arg1, %mul3A_13 : i32
    %add3A_15 = arith.constant 256 : i32
    %add3A_16 = arith.addi %mul3A_14, %add3A_15 : i32
    "tpu.region"() ({
      %run_scoped3A = tpu.sem_alloc : memref<!tpu.dma_semaphore, #tpu.memory_space<semaphore_mem>>
      %dma_start3A_61 = arith.constant 0 : i32
      %dma_start3A_62 = tpu.memref_slice %arg12[%add3A_16, %dma_start3A_61] : memref<10112x128xf32, #tpu.memory_space<vmem_shared>> -> memref<128x128xf32, #tpu.memory_space<vmem_shared>>
      %dma_start3A_63 = arith.constant 0 : i32
      %dma_start3A_64 = tpu.memref_slice %arg12[%add3A_16, %dma_start3A_63] : memref<10112x128xf32, #tpu.memory_space<vmem_shared>> -> memref<128x128xf32, #tpu.memory_space<vmem_shared>>
      tpu.enqueue_dma source(%arg8 : memref<128x128xf32, #tpu.memory_space<vmem>>) target(%dma_start3A_64 : memref<128x128xf32, #tpu.memory_space<vmem_shared>>) target_semaphore(%run_scoped3A : memref<!tpu.dma_semaphore, #tpu.memory_space<semaphore_mem>>)
      %dma_wait3A = arith.constant 0 : i32
      %dma_wait3A_65 = tpu.memref_slice %arg12[%add3A_16, %dma_wait3A] : memref<10112x128xf32, #tpu.memory_space<vmem_shared>> -> memref<128x128xf32, #tpu.memory_space<vmem_shared>>
      %dma_wait3A_66 = arith.constant 0 : i32
      %dma_wait3A_67 = tpu.memref_slice %arg12[%add3A_16, %dma_wait3A_66] : memref<10112x128xf32, #tpu.memory_space<vmem_shared>> -> memref<128x128xf32, #tpu.memory_space<vmem_shared>>
      tpu.wait_dma2 semaphore(%run_scoped3A : memref<!tpu.dma_semaphore, #tpu.memory_space<semaphore_mem>>) src(%arg8 : memref<128x128xf32, #tpu.memory_space<vmem>>) dst(%dma_wait3A_67 : memref<128x128xf32, #tpu.memory_space<vmem_shared>>)
      tpu.yield
    }) : () -> ()
    %mul3A_17 = arith.constant 632 : i32
    %mul3A_18 = arith.muli %arg1, %mul3A_17 : i32
    %add3A_19 = arith.constant 384 : i32
    %add3A_20 = arith.addi %mul3A_18, %add3A_19 : i32
    "tpu.region"() ({
      %run_scoped3A = tpu.sem_alloc : memref<!tpu.dma_semaphore, #tpu.memory_space<semaphore_mem>>
      %dma_start3A_61 = arith.constant 0 : i32
      %dma_start3A_62 = tpu.memref_slice %arg12[%add3A_20, %dma_start3A_61] : memref<10112x128xf32, #tpu.memory_space<vmem_shared>> -> memref<128x128xf32, #tpu.memory_space<vmem_shared>>
      %dma_start3A_63 = arith.constant 0 : i32
      %dma_start3A_64 = tpu.memref_slice %arg12[%add3A_20, %dma_start3A_63] : memref<10112x128xf32, #tpu.memory_space<vmem_shared>> -> memref<128x128xf32, #tpu.memory_space<vmem_shared>>
      tpu.enqueue_dma source(%arg8 : memref<128x128xf32, #tpu.memory_space<vmem>>) target(%dma_start3A_64 : memref<128x128xf32, #tpu.memory_space<vmem_shared>>) target_semaphore(%run_scoped3A : memref<!tpu.dma_semaphore, #tpu.memory_space<semaphore_mem>>)
      %dma_wait3A = arith.constant 0 : i32
      %dma_wait3A_65 = tpu.memref_slice %arg12[%add3A_20, %dma_wait3A] : memref<10112x128xf32, #tpu.memory_space<vmem_shared>> -> memref<128x128xf32, #tpu.memory_space<vmem_shared>>
      %dma_wait3A_66 = arith.constant 0 : i32
      %dma_wait3A_67 = tpu.memref_slice %arg12[%add3A_20, %dma_wait3A_66] : memref<10112x128xf32, #tpu.memory_space<vmem_shared>> -> memref<128x128xf32, #tpu.memory_space<vmem_shared>>
      tpu.wait_dma2 semaphore(%run_scoped3A : memref<!tpu.dma_semaphore, #tpu.memory_space<semaphore_mem>>) src(%arg8 : memref<128x128xf32, #tpu.memory_space<vmem>>) dst(%dma_wait3A_67 : memref<128x128xf32, #tpu.memory_space<vmem_shared>>)
      tpu.yield
    }) : () -> ()
    %mul3A_21 = arith.constant 632 : i32
    %mul3A_22 = arith.muli %arg1, %mul3A_21 : i32
    %add3A_23 = arith.constant 512 : i32
    %add3A_24 = arith.addi %mul3A_22, %add3A_23 : i32
    "tpu.region"() ({
      %run_scoped3A = tpu.sem_alloc : memref<!tpu.dma_semaphore, #tpu.memory_space<semaphore_mem>>
      %dma_start3A_61 = arith.constant 0 : i32
      %dma_start3A_62 = arith.constant 0 : i32
      %dma_start3A_63 = tpu.memref_slice %arg8[%dma_start3A_61, %dma_start3A_62] : memref<128x128xf32, #tpu.memory_space<vmem>> -> memref<120x128xf32, #tpu.memory_space<vmem>>
      %dma_start3A_64 = arith.constant 0 : i32
      %dma_start3A_65 = tpu.memref_slice %arg12[%add3A_24, %dma_start3A_64] : memref<10112x128xf32, #tpu.memory_space<vmem_shared>> -> memref<120x128xf32, #tpu.memory_space<vmem_shared>>
      %dma_start3A_66 = arith.constant 0 : i32
      %dma_start3A_67 = tpu.memref_slice %arg12[%add3A_24, %dma_start3A_66] : memref<10112x128xf32, #tpu.memory_space<vmem_shared>> -> memref<120x128xf32, #tpu.memory_space<vmem_shared>>
      %dma_start3A_68 = arith.constant 0 : i32
      %dma_start3A_69 = arith.constant 0 : i32
      %dma_start3A_70 = tpu.memref_slice %arg8[%dma_start3A_68, %dma_start3A_69] : memref<128x128xf32, #tpu.memory_space<vmem>> -> memref<120x128xf32, #tpu.memory_space<vmem>>
      tpu.enqueue_dma source(%dma_start3A_70 : memref<120x128xf32, #tpu.memory_space<vmem>>) target(%dma_start3A_67 : memref<120x128xf32, #tpu.memory_space<vmem_shared>>) target_semaphore(%run_scoped3A : memref<!tpu.dma_semaphore, #tpu.memory_space<semaphore_mem>>)
      %dma_wait3A = arith.constant 0 : i32
      %dma_wait3A_71 = arith.constant 0 : i32
      %dma_wait3A_72 = tpu.memref_slice %arg8[%dma_wait3A, %dma_wait3A_71] : memref<128x128xf32, #tpu.memory_space<vmem>> -> memref<120x128xf32, #tpu.memory_space<vmem>>
      %dma_wait3A_73 = arith.constant 0 : i32
      %dma_wait3A_74 = tpu.memref_slice %arg12[%add3A_24, %dma_wait3A_73] : memref<10112x128xf32, #tpu.memory_space<vmem_shared>> -> memref<120x128xf32, #tpu.memory_space<vmem_shared>>
      %dma_wait3A_75 = arith.constant 0 : i32
      %dma_wait3A_76 = tpu.memref_slice %arg12[%add3A_24, %dma_wait3A_75] : memref<10112x128xf32, #tpu.memory_space<vmem_shared>> -> memref<120x128xf32, #tpu.memory_space<vmem_shared>>
      %dma_wait3A_77 = arith.constant 0 : i32
      %dma_wait3A_78 = arith.constant 0 : i32
      %dma_wait3A_79 = tpu.memref_slice %arg8[%dma_wait3A_77, %dma_wait3A_78] : memref<128x128xf32, #tpu.memory_space<vmem>> -> memref<120x128xf32, #tpu.memory_space<vmem>>
      tpu.wait_dma2 semaphore(%run_scoped3A : memref<!tpu.dma_semaphore, #tpu.memory_space<semaphore_mem>>) src(%dma_wait3A_79 : memref<120x128xf32, #tpu.memory_space<vmem>>) dst(%dma_wait3A_76 : memref<120x128xf32, #tpu.memory_space<vmem_shared>>)
      tpu.yield
    }) : () -> ()
    %barrier3A = arith.constant 0 : index
    tpu.barrier barrier_id(%barrier3A)
    %mul3A_25 = arith.constant 80 : i32
    %mul3A_26 = arith.muli %add3A, %mul3A_25 : i32
    %add3A_27 = arith.constant 0 : i32
    %add3A_28 = arith.addi %mul3A_26, %add3A_27 : i32
    "tpu.region"() ({
      %run_scoped3A = tpu.sem_alloc : memref<!tpu.dma_semaphore, #tpu.memory_space<semaphore_mem>>
      %dma_start3A_61 = arith.constant 0 : i32
      %dma_start3A_62 = tpu.memref_slice %arg3[%add3A_28, %dma_start3A_61] : memref<2560x128xi32, #tpu.memory_space<hbm>> -> memref<40x128xi32, #tpu.memory_space<hbm>>
      %dma_start3A_63 = arith.constant 0 : i32
      %dma_start3A_64 = tpu.memref_slice %arg3[%add3A_28, %dma_start3A_63] : memref<2560x128xi32, #tpu.memory_space<hbm>> -> memref<40x128xi32, #tpu.memory_space<hbm>>
      tpu.enqueue_dma source(%dma_start3A_64 : memref<40x128xi32, #tpu.memory_space<hbm>>) target(%arg6 : memref<40x128xi32, #tpu.memory_space<vmem>>) target_semaphore(%run_scoped3A : memref<!tpu.dma_semaphore, #tpu.memory_space<semaphore_mem>>)
      %dma_wait3A = arith.constant 0 : i32
      %dma_wait3A_65 = tpu.memref_slice %arg3[%add3A_28, %dma_wait3A] : memref<2560x128xi32, #tpu.memory_space<hbm>> -> memref<40x128xi32, #tpu.memory_space<hbm>>
      %dma_wait3A_66 = arith.constant 0 : i32
      %dma_wait3A_67 = tpu.memref_slice %arg3[%add3A_28, %dma_wait3A_66] : memref<2560x128xi32, #tpu.memory_space<hbm>> -> memref<40x128xi32, #tpu.memory_space<hbm>>
      tpu.wait_dma2 semaphore(%run_scoped3A : memref<!tpu.dma_semaphore, #tpu.memory_space<semaphore_mem>>) src(%dma_wait3A_67 : memref<40x128xi32, #tpu.memory_space<hbm>>) dst(%arg6 : memref<40x128xi32, #tpu.memory_space<vmem>>)
      tpu.yield
    }) : () -> ()
    "tpu.region"() ({
      %run_scoped3A = tpu.sem_alloc : memref<!tpu.dma_semaphore, #tpu.memory_space<semaphore_mem>>
      %dma_start3A_61 = arith.constant 0 : i32
      %dma_start3A_62 = tpu.memref_slice %arg4[%add3A_28, %dma_start3A_61] : memref<2560x128xi32, #tpu.memory_space<hbm>> -> memref<40x128xi32, #tpu.memory_space<hbm>>
      %dma_start3A_63 = arith.constant 0 : i32
      %dma_start3A_64 = tpu.memref_slice %arg4[%add3A_28, %dma_start3A_63] : memref<2560x128xi32, #tpu.memory_space<hbm>> -> memref<40x128xi32, #tpu.memory_space<hbm>>
      tpu.enqueue_dma source(%dma_start3A_64 : memref<40x128xi32, #tpu.memory_space<hbm>>) target(%arg7 : memref<40x128xi32, #tpu.memory_space<vmem>>) target_semaphore(%run_scoped3A : memref<!tpu.dma_semaphore, #tpu.memory_space<semaphore_mem>>)
      %dma_wait3A = arith.constant 0 : i32
      %dma_wait3A_65 = tpu.memref_slice %arg4[%add3A_28, %dma_wait3A] : memref<2560x128xi32, #tpu.memory_space<hbm>> -> memref<40x128xi32, #tpu.memory_space<hbm>>
      %dma_wait3A_66 = arith.constant 0 : i32
      %dma_wait3A_67 = tpu.memref_slice %arg4[%add3A_28, %dma_wait3A_66] : memref<2560x128xi32, #tpu.memory_space<hbm>> -> memref<40x128xi32, #tpu.memory_space<hbm>>
      tpu.wait_dma2 semaphore(%run_scoped3A : memref<!tpu.dma_semaphore, #tpu.memory_space<semaphore_mem>>) src(%dma_wait3A_67 : memref<40x128xi32, #tpu.memory_space<hbm>>) dst(%arg7 : memref<40x128xi32, #tpu.memory_space<vmem>>)
      tpu.yield
    }) : () -> ()
    %dma_start3A = arith.constant 0 : i32
    %dma_start3A_29 = arith.constant 0 : i32
    %dma_start3A_30 = tpu.memref_slice %arg6[%dma_start3A, %dma_start3A_29] : memref<40x128xi32, #tpu.memory_space<vmem>> -> memref<1x128xi32, #tpu.memory_space<vmem>>
    %dma_start3A_31 = tpu.memref_squeeze %dma_start3A_30 : memref<1x128xi32, #tpu.memory_space<vmem>> -> memref<128xi32, #tpu.memory_space<vmem>>
    %dma_start3A_32 = arith.constant 0 : i32
    %dma_start3A_33 = arith.constant 0 : i32
    %dma_start3A_34 = tpu.memref_slice %arg2[%dma_start3A_32, %dma_start3A_33] : memref<10000x128xf32, #tpu.memory_space<hbm>> -> memref<10000x128xf32, #tpu.memory_space<hbm>>
    tpu.enqueue_indirect_dma source(%dma_start3A_34 : memref<10000x128xf32, #tpu.memory_space<hbm>>) target(%arg8 : memref<128x128xf32, #tpu.memory_space<vmem>>) offsets(%dma_start3A_31 : memref<128xi32, #tpu.memory_space<vmem>>) semaphore(%arg10 : memref<!tpu.dma_semaphore, #tpu.memory_space<semaphore_mem>>)
    %scan3A_35 = arith.constant 0 : i32
    %scan3A_36 = arith.constant 20 : i32
    %scan3A_37 = arith.addi %scan3A_35, %scan3A_36 : i32
    %scan3A_38 = arith.constant 1 : i32
    scf.for %scan3A_61 = %scan3A_35 to %scan3A_37 step %scan3A_38  : i32 {
      %mul3A_62 = arith.constant 2 : i32
      %mul3A_63 = arith.muli %scan3A_61, %mul3A_62 : i32
      %add3A_64 = arith.constant 0 : i32
      %add3A_65 = arith.addi %add3A_64, %mul3A_63 : i32
      %dma_wait3A = arith.constant 0 : i32
      %dma_wait3A_66 = tpu.memref_slice %arg6[%add3A_65, %dma_wait3A] : memref<40x128xi32, #tpu.memory_space<vmem>> -> memref<1x128xi32, #tpu.memory_space<vmem>>
      %dma_wait3A_67 = tpu.memref_squeeze %dma_wait3A_66 : memref<1x128xi32, #tpu.memory_space<vmem>> -> memref<128xi32, #tpu.memory_space<vmem>>
      %dma_wait3A_68 = arith.constant 0 : i32
      %dma_wait3A_69 = arith.constant 0 : i32
      %dma_wait3A_70 = tpu.memref_slice %arg2[%dma_wait3A_68, %dma_wait3A_69] : memref<10000x128xf32, #tpu.memory_space<hbm>> -> memref<10000x128xf32, #tpu.memory_space<hbm>>
      tpu.wait_indirect_dma semaphore(%arg10 : memref<!tpu.dma_semaphore, #tpu.memory_space<semaphore_mem>>) src(%dma_wait3A_70 : memref<10000x128xf32, #tpu.memory_space<hbm>>) dst(%arg8 : memref<128x128xf32, #tpu.memory_space<vmem>>)
      %add3A_71 = arith.constant 1 : i32
      %add3A_72 = arith.addi %add3A_65, %add3A_71 : i32
      %dma_start3A_73 = arith.constant 0 : i32
      %dma_start3A_74 = tpu.memref_slice %arg6[%add3A_72, %dma_start3A_73] : memref<40x128xi32, #tpu.memory_space<vmem>> -> memref<1x128xi32, #tpu.memory_space<vmem>>
      %dma_start3A_75 = tpu.memref_squeeze %dma_start3A_74 : memref<1x128xi32, #tpu.memory_space<vmem>> -> memref<128xi32, #tpu.memory_space<vmem>>
      %dma_start3A_76 = arith.constant 0 : i32
      %dma_start3A_77 = arith.constant 0 : i32
      %dma_start3A_78 = tpu.memref_slice %arg2[%dma_start3A_76, %dma_start3A_77] : memref<10000x128xf32, #tpu.memory_space<hbm>> -> memref<10000x128xf32, #tpu.memory_space<hbm>>
      tpu.enqueue_indirect_dma source(%dma_start3A_78 : memref<10000x128xf32, #tpu.memory_space<hbm>>) target(%arg9 : memref<128x128xf32, #tpu.memory_space<vmem>>) offsets(%dma_start3A_75 : memref<128xi32, #tpu.memory_space<vmem>>) semaphore(%arg11 : memref<!tpu.dma_semaphore, #tpu.memory_space<semaphore_mem>>)
      "tpu.region"() ({
        %run_scoped3A = tpu.sem_alloc : memref<!tpu.dma_semaphore, #tpu.memory_space<semaphore_mem>>
        %dma_start3A_95 = arith.constant 0 : i32
        %dma_start3A_96 = tpu.memref_slice %arg7[%add3A_65, %dma_start3A_95] : memref<40x128xi32, #tpu.memory_space<vmem>> -> memref<1x128xi32, #tpu.memory_space<vmem>>
        %dma_start3A_97 = tpu.memref_squeeze %dma_start3A_96 : memref<1x128xi32, #tpu.memory_space<vmem>> -> memref<128xi32, #tpu.memory_space<vmem>>
        %dma_start3A_98 = arith.constant 0 : i32
        %dma_start3A_99 = arith.constant 0 : i32
        %dma_start3A_100 = tpu.memref_slice %arg12[%dma_start3A_98, %dma_start3A_99] : memref<10112x128xf32, #tpu.memory_space<vmem_shared>> -> memref<10112x128xf32, #tpu.memory_space<vmem_shared>>
        tpu.enqueue_indirect_dma source(%arg8 : memref<128x128xf32, #tpu.memory_space<vmem>>) target(%dma_start3A_100 : memref<10112x128xf32, #tpu.memory_space<vmem_shared>>) offsets(%dma_start3A_97 : memref<128xi32, #tpu.memory_space<vmem>>) semaphore(%run_scoped3A : memref<!tpu.dma_semaphore, #tpu.memory_space<semaphore_mem>>) {add = true}
        %dma_wait3A_101 = arith.constant 0 : i32
        %dma_wait3A_102 = tpu.memref_slice %arg7[%add3A_65, %dma_wait3A_101] : memref<40x128xi32, #tpu.memory_space<vmem>> -> memref<1x128xi32, #tpu.memory_space<vmem>>
        %dma_wait3A_103 = tpu.memref_squeeze %dma_wait3A_102 : memref<1x128xi32, #tpu.memory_space<vmem>> -> memref<128xi32, #tpu.memory_space<vmem>>
        %dma_wait3A_104 = arith.constant 0 : i32
        %dma_wait3A_105 = arith.constant 0 : i32
        %dma_wait3A_106 = tpu.memref_slice %arg12[%dma_wait3A_104, %dma_wait3A_105] : memref<10112x128xf32, #tpu.memory_space<vmem_shared>> -> memref<10112x128xf32, #tpu.memory_space<vmem_shared>>
        tpu.wait_indirect_dma semaphore(%run_scoped3A : memref<!tpu.dma_semaphore, #tpu.memory_space<semaphore_mem>>) src(%arg8 : memref<128x128xf32, #tpu.memory_space<vmem>>) dst(%dma_wait3A_106 : memref<10112x128xf32, #tpu.memory_space<vmem_shared>>)
        tpu.yield
      }) : () -> ()
      %add3A_79 = arith.constant 2 : i32
      %add3A_80 = arith.addi %add3A_65, %add3A_79 : i32
      %lt3A = arith.constant 40 : i32
      %lt3A_81 = arith.cmpi slt, %add3A_80, %lt3A : i32
      %convert_element_type3A_82 = arith.extui %lt3A_81 : i1 to i32
      %cond3A_83 = arith.constant 0 : i32
      %cond3A_84 = arith.cmpi ne, %convert_element_type3A_82, %cond3A_83 : i32
      scf.if %cond3A_84 {
        %add3A_95 = arith.constant 2 : i32
        %add3A_96 = arith.addi %add3A_65, %add3A_95 : i32
        %dma_start3A_97 = arith.constant 0 : i32
        %dma_start3A_98 = tpu.memref_slice %arg6[%add3A_96, %dma_start3A_97] : memref<40x128xi32, #tpu.memory_space<vmem>> -> memref<1x128xi32, #tpu.memory_space<vmem>>
        %dma_start3A_99 = tpu.memref_squeeze %dma_start3A_98 : memref<1x128xi32, #tpu.memory_space<vmem>> -> memref<128xi32, #tpu.memory_space<vmem>>
        %dma_start3A_100 = arith.constant 0 : i32
        %dma_start3A_101 = arith.constant 0 : i32
        %dma_start3A_102 = tpu.memref_slice %arg2[%dma_start3A_100, %dma_start3A_101] : memref<10000x128xf32, #tpu.memory_space<hbm>> -> memref<10000x128xf32, #tpu.memory_space<hbm>>
        tpu.enqueue_indirect_dma source(%dma_start3A_102 : memref<10000x128xf32, #tpu.memory_space<hbm>>) target(%arg8 : memref<128x128xf32, #tpu.memory_space<vmem>>) offsets(%dma_start3A_99 : memref<128xi32, #tpu.memory_space<vmem>>) semaphore(%arg10 : memref<!tpu.dma_semaphore, #tpu.memory_space<semaphore_mem>>)
      } else {
      }
      %add3A_85 = arith.constant 1 : i32
      %add3A_86 = arith.addi %add3A_65, %add3A_85 : i32
      %dma_wait3A_87 = arith.constant 0 : i32
      %dma_wait3A_88 = tpu.memref_slice %arg6[%add3A_86, %dma_wait3A_87] : memref<40x128xi32, #tpu.memory_space<vmem>> -> memref<1x128xi32, #tpu.memory_space<vmem>>
      %dma_wait3A_89 = tpu.memref_squeeze %dma_wait3A_88 : memref<1x128xi32, #tpu.memory_space<vmem>> -> memref<128xi32, #tpu.memory_space<vmem>>
      %dma_wait3A_90 = arith.constant 0 : i32
      %dma_wait3A_91 = arith.constant 0 : i32
      %dma_wait3A_92 = tpu.memref_slice %arg2[%dma_wait3A_90, %dma_wait3A_91] : memref<10000x128xf32, #tpu.memory_space<hbm>> -> memref<10000x128xf32, #tpu.memory_space<hbm>>
      tpu.wait_indirect_dma semaphore(%arg11 : memref<!tpu.dma_semaphore, #tpu.memory_space<semaphore_mem>>) src(%dma_wait3A_92 : memref<10000x128xf32, #tpu.memory_space<hbm>>) dst(%arg9 : memref<128x128xf32, #tpu.memory_space<vmem>>)
      %add3A_93 = arith.constant 1 : i32
      %add3A_94 = arith.addi %add3A_65, %add3A_93 : i32
      "tpu.region"() ({
        %run_scoped3A = tpu.sem_alloc : memref<!tpu.dma_semaphore, #tpu.memory_space<semaphore_mem>>
        %dma_start3A_95 = arith.constant 0 : i32
        %dma_start3A_96 = tpu.memref_slice %arg7[%add3A_94, %dma_start3A_95] : memref<40x128xi32, #tpu.memory_space<vmem>> -> memref<1x128xi32, #tpu.memory_space<vmem>>
        %dma_start3A_97 = tpu.memref_squeeze %dma_start3A_96 : memref<1x128xi32, #tpu.memory_space<vmem>> -> memref<128xi32, #tpu.memory_space<vmem>>
        %dma_start3A_98 = arith.constant 0 : i32
        %dma_start3A_99 = arith.constant 0 : i32
        %dma_start3A_100 = tpu.memref_slice %arg12[%dma_start3A_98, %dma_start3A_99] : memref<10112x128xf32, #tpu.memory_space<vmem_shared>> -> memref<10112x128xf32, #tpu.memory_space<vmem_shared>>
        tpu.enqueue_indirect_dma source(%arg9 : memref<128x128xf32, #tpu.memory_space<vmem>>) target(%dma_start3A_100 : memref<10112x128xf32, #tpu.memory_space<vmem_shared>>) offsets(%dma_start3A_97 : memref<128xi32, #tpu.memory_space<vmem>>) semaphore(%run_scoped3A : memref<!tpu.dma_semaphore, #tpu.memory_space<semaphore_mem>>) {add = true}
        %dma_wait3A_101 = arith.constant 0 : i32
        %dma_wait3A_102 = tpu.memref_slice %arg7[%add3A_94, %dma_wait3A_101] : memref<40x128xi32, #tpu.memory_space<vmem>> -> memref<1x128xi32, #tpu.memory_space<vmem>>
        %dma_wait3A_103 = tpu.memref_squeeze %dma_wait3A_102 : memref<1x128xi32, #tpu.memory_space<vmem>> -> memref<128xi32, #tpu.memory_space<vmem>>
        %dma_wait3A_104 = arith.constant 0 : i32
        %dma_wait3A_105 = arith.constant 0 : i32
        %dma_wait3A_106 = tpu.memref_slice %arg12[%dma_wait3A_104, %dma_wait3A_105] : memref<10112x128xf32, #tpu.memory_space<vmem_shared>> -> memref<10112x128xf32, #tpu.memory_space<vmem_shared>>
        tpu.wait_indirect_dma semaphore(%run_scoped3A : memref<!tpu.dma_semaphore, #tpu.memory_space<semaphore_mem>>) src(%arg9 : memref<128x128xf32, #tpu.memory_space<vmem>>) dst(%dma_wait3A_106 : memref<10112x128xf32, #tpu.memory_space<vmem_shared>>)
        tpu.yield
      }) : () -> ()
    }
    %scan3A_39 = arith.constant 20 : i32
    %mul3A_40 = arith.constant 80 : i32
    %mul3A_41 = arith.muli %add3A, %mul3A_40 : i32
    %add3A_42 = arith.constant 40 : i32
    %add3A_43 = arith.addi %mul3A_41, %add3A_42 : i32
    "tpu.region"() ({
      %run_scoped3A = tpu.sem_alloc : memref<!tpu.dma_semaphore, #tpu.memory_space<semaphore_mem>>
      %dma_start3A_61 = arith.constant 0 : i32
      %dma_start3A_62 = tpu.memref_slice %arg3[%add3A_43, %dma_start3A_61] : memref<2560x128xi32, #tpu.memory_space<hbm>> -> memref<40x128xi32, #tpu.memory_space<hbm>>
      %dma_start3A_63 = arith.constant 0 : i32
      %dma_start3A_64 = tpu.memref_slice %arg3[%add3A_43, %dma_start3A_63] : memref<2560x128xi32, #tpu.memory_space<hbm>> -> memref<40x128xi32, #tpu.memory_space<hbm>>
      tpu.enqueue_dma source(%dma_start3A_64 : memref<40x128xi32, #tpu.memory_space<hbm>>) target(%arg6 : memref<40x128xi32, #tpu.memory_space<vmem>>) target_semaphore(%run_scoped3A : memref<!tpu.dma_semaphore, #tpu.memory_space<semaphore_mem>>)
      %dma_wait3A = arith.constant 0 : i32
      %dma_wait3A_65 = tpu.memref_slice %arg3[%add3A_43, %dma_wait3A] : memref<2560x128xi32, #tpu.memory_space<hbm>> -> memref<40x128xi32, #tpu.memory_space<hbm>>
      %dma_wait3A_66 = arith.constant 0 : i32
      %dma_wait3A_67 = tpu.memref_slice %arg3[%add3A_43, %dma_wait3A_66] : memref<2560x128xi32, #tpu.memory_space<hbm>> -> memref<40x128xi32, #tpu.memory_space<hbm>>
      tpu.wait_dma2 semaphore(%run_scoped3A : memref<!tpu.dma_semaphore, #tpu.memory_space<semaphore_mem>>) src(%dma_wait3A_67 : memref<40x128xi32, #tpu.memory_space<hbm>>) dst(%arg6 : memref<40x128xi32, #tpu.memory_space<vmem>>)
      tpu.yield
    }) : () -> ()
    "tpu.region"() ({
      %run_scoped3A = tpu.sem_alloc : memref<!tpu.dma_semaphore, #tpu.memory_space<semaphore_mem>>
      %dma_start3A_61 = arith.constant 0 : i32
      %dma_start3A_62 = tpu.memref_slice %arg4[%add3A_43, %dma_start3A_61] : memref<2560x128xi32, #tpu.memory_space<hbm>> -> memref<40x128xi32, #tpu.memory_space<hbm>>
      %dma_start3A_63 = arith.constant 0 : i32
      %dma_start3A_64 = tpu.memref_slice %arg4[%add3A_43, %dma_start3A_63] : memref<2560x128xi32, #tpu.memory_space<hbm>> -> memref<40x128xi32, #tpu.memory_space<hbm>>
      tpu.enqueue_dma source(%dma_start3A_64 : memref<40x128xi32, #tpu.memory_space<hbm>>) target(%arg7 : memref<40x128xi32, #tpu.memory_space<vmem>>) target_semaphore(%run_scoped3A : memref<!tpu.dma_semaphore, #tpu.memory_space<semaphore_mem>>)
      %dma_wait3A = arith.constant 0 : i32
      %dma_wait3A_65 = tpu.memref_slice %arg4[%add3A_43, %dma_wait3A] : memref<2560x128xi32, #tpu.memory_space<hbm>> -> memref<40x128xi32, #tpu.memory_space<hbm>>
      %dma_wait3A_66 = arith.constant 0 : i32
      %dma_wait3A_67 = tpu.memref_slice %arg4[%add3A_43, %dma_wait3A_66] : memref<2560x128xi32, #tpu.memory_space<hbm>> -> memref<40x128xi32, #tpu.memory_space<hbm>>
      tpu.wait_dma2 semaphore(%run_scoped3A : memref<!tpu.dma_semaphore, #tpu.memory_space<semaphore_mem>>) src(%dma_wait3A_67 : memref<40x128xi32, #tpu.memory_space<hbm>>) dst(%arg7 : memref<40x128xi32, #tpu.memory_space<vmem>>)
      tpu.yield
    }) : () -> ()
    %dma_start3A_44 = arith.constant 0 : i32
    %dma_start3A_45 = arith.constant 0 : i32
    %dma_start3A_46 = tpu.memref_slice %arg6[%dma_start3A_44, %dma_start3A_45] : memref<40x128xi32, #tpu.memory_space<vmem>> -> memref<1x128xi32, #tpu.memory_space<vmem>>
    %dma_start3A_47 = tpu.memref_squeeze %dma_start3A_46 : memref<1x128xi32, #tpu.memory_space<vmem>> -> memref<128xi32, #tpu.memory_space<vmem>>
    %dma_start3A_48 = arith.constant 0 : i32
    %dma_start3A_49 = arith.constant 0 : i32
    %dma_start3A_50 = tpu.memref_slice %arg2[%dma_start3A_48, %dma_start3A_49] : memref<10000x128xf32, #tpu.memory_space<hbm>> -> memref<10000x128xf32, #tpu.memory_space<hbm>>
    tpu.enqueue_indirect_dma source(%dma_start3A_50 : memref<10000x128xf32, #tpu.memory_space<hbm>>) target(%arg8 : memref<128x128xf32, #tpu.memory_space<vmem>>) offsets(%dma_start3A_47 : memref<128xi32, #tpu.memory_space<vmem>>) semaphore(%arg10 : memref<!tpu.dma_semaphore, #tpu.memory_space<semaphore_mem>>)
    %scan3A_51 = arith.constant 0 : i32
    %scan3A_52 = arith.constant 20 : i32
    %scan3A_53 = arith.addi %scan3A_51, %scan3A_52 : i32
    %scan3A_54 = arith.constant 1 : i32
    scf.for %scan3A_61 = %scan3A_51 to %scan3A_53 step %scan3A_54  : i32 {
      %mul3A_62 = arith.constant 2 : i32
      %mul3A_63 = arith.muli %scan3A_61, %mul3A_62 : i32
      %add3A_64 = arith.constant 0 : i32
      %add3A_65 = arith.addi %add3A_64, %mul3A_63 : i32
      %dma_wait3A = arith.constant 0 : i32
      %dma_wait3A_66 = tpu.memref_slice %arg6[%add3A_65, %dma_wait3A] : memref<40x128xi32, #tpu.memory_space<vmem>> -> memref<1x128xi32, #tpu.memory_space<vmem>>
      %dma_wait3A_67 = tpu.memref_squeeze %dma_wait3A_66 : memref<1x128xi32, #tpu.memory_space<vmem>> -> memref<128xi32, #tpu.memory_space<vmem>>
      %dma_wait3A_68 = arith.constant 0 : i32
      %dma_wait3A_69 = arith.constant 0 : i32
      %dma_wait3A_70 = tpu.memref_slice %arg2[%dma_wait3A_68, %dma_wait3A_69] : memref<10000x128xf32, #tpu.memory_space<hbm>> -> memref<10000x128xf32, #tpu.memory_space<hbm>>
      tpu.wait_indirect_dma semaphore(%arg10 : memref<!tpu.dma_semaphore, #tpu.memory_space<semaphore_mem>>) src(%dma_wait3A_70 : memref<10000x128xf32, #tpu.memory_space<hbm>>) dst(%arg8 : memref<128x128xf32, #tpu.memory_space<vmem>>)
      %add3A_71 = arith.constant 1 : i32
      %add3A_72 = arith.addi %add3A_65, %add3A_71 : i32
      %dma_start3A_73 = arith.constant 0 : i32
      %dma_start3A_74 = tpu.memref_slice %arg6[%add3A_72, %dma_start3A_73] : memref<40x128xi32, #tpu.memory_space<vmem>> -> memref<1x128xi32, #tpu.memory_space<vmem>>
      %dma_start3A_75 = tpu.memref_squeeze %dma_start3A_74 : memref<1x128xi32, #tpu.memory_space<vmem>> -> memref<128xi32, #tpu.memory_space<vmem>>
      %dma_start3A_76 = arith.constant 0 : i32
      %dma_start3A_77 = arith.constant 0 : i32
      %dma_start3A_78 = tpu.memref_slice %arg2[%dma_start3A_76, %dma_start3A_77] : memref<10000x128xf32, #tpu.memory_space<hbm>> -> memref<10000x128xf32, #tpu.memory_space<hbm>>
      tpu.enqueue_indirect_dma source(%dma_start3A_78 : memref<10000x128xf32, #tpu.memory_space<hbm>>) target(%arg9 : memref<128x128xf32, #tpu.memory_space<vmem>>) offsets(%dma_start3A_75 : memref<128xi32, #tpu.memory_space<vmem>>) semaphore(%arg11 : memref<!tpu.dma_semaphore, #tpu.memory_space<semaphore_mem>>)
      "tpu.region"() ({
        %run_scoped3A = tpu.sem_alloc : memref<!tpu.dma_semaphore, #tpu.memory_space<semaphore_mem>>
        %dma_start3A_95 = arith.constant 0 : i32
        %dma_start3A_96 = tpu.memref_slice %arg7[%add3A_65, %dma_start3A_95] : memref<40x128xi32, #tpu.memory_space<vmem>> -> memref<1x128xi32, #tpu.memory_space<vmem>>
        %dma_start3A_97 = tpu.memref_squeeze %dma_start3A_96 : memref<1x128xi32, #tpu.memory_space<vmem>> -> memref<128xi32, #tpu.memory_space<vmem>>
        %dma_start3A_98 = arith.constant 0 : i32
        %dma_start3A_99 = arith.constant 0 : i32
        %dma_start3A_100 = tpu.memref_slice %arg12[%dma_start3A_98, %dma_start3A_99] : memref<10112x128xf32, #tpu.memory_space<vmem_shared>> -> memref<10112x128xf32, #tpu.memory_space<vmem_shared>>
        tpu.enqueue_indirect_dma source(%arg8 : memref<128x128xf32, #tpu.memory_space<vmem>>) target(%dma_start3A_100 : memref<10112x128xf32, #tpu.memory_space<vmem_shared>>) offsets(%dma_start3A_97 : memref<128xi32, #tpu.memory_space<vmem>>) semaphore(%run_scoped3A : memref<!tpu.dma_semaphore, #tpu.memory_space<semaphore_mem>>) {add = true}
        %dma_wait3A_101 = arith.constant 0 : i32
        %dma_wait3A_102 = tpu.memref_slice %arg7[%add3A_65, %dma_wait3A_101] : memref<40x128xi32, #tpu.memory_space<vmem>> -> memref<1x128xi32, #tpu.memory_space<vmem>>
        %dma_wait3A_103 = tpu.memref_squeeze %dma_wait3A_102 : memref<1x128xi32, #tpu.memory_space<vmem>> -> memref<128xi32, #tpu.memory_space<vmem>>
        %dma_wait3A_104 = arith.constant 0 : i32
        %dma_wait3A_105 = arith.constant 0 : i32
        %dma_wait3A_106 = tpu.memref_slice %arg12[%dma_wait3A_104, %dma_wait3A_105] : memref<10112x128xf32, #tpu.memory_space<vmem_shared>> -> memref<10112x128xf32, #tpu.memory_space<vmem_shared>>
        tpu.wait_indirect_dma semaphore(%run_scoped3A : memref<!tpu.dma_semaphore, #tpu.memory_space<semaphore_mem>>) src(%arg8 : memref<128x128xf32, #tpu.memory_space<vmem>>) dst(%dma_wait3A_106 : memref<10112x128xf32, #tpu.memory_space<vmem_shared>>)
        tpu.yield
      }) : () -> ()
      %add3A_79 = arith.constant 2 : i32
      %add3A_80 = arith.addi %add3A_65, %add3A_79 : i32
      %lt3A = arith.constant 40 : i32
      %lt3A_81 = arith.cmpi slt, %add3A_80, %lt3A : i32
      %convert_element_type3A_82 = arith.extui %lt3A_81 : i1 to i32
      %cond3A_83 = arith.constant 0 : i32
      %cond3A_84 = arith.cmpi ne, %convert_element_type3A_82, %cond3A_83 : i32
      scf.if %cond3A_84 {
        %add3A_95 = arith.constant 2 : i32
        %add3A_96 = arith.addi %add3A_65, %add3A_95 : i32
        %dma_start3A_97 = arith.constant 0 : i32
        %dma_start3A_98 = tpu.memref_slice %arg6[%add3A_96, %dma_start3A_97] : memref<40x128xi32, #tpu.memory_space<vmem>> -> memref<1x128xi32, #tpu.memory_space<vmem>>
        %dma_start3A_99 = tpu.memref_squeeze %dma_start3A_98 : memref<1x128xi32, #tpu.memory_space<vmem>> -> memref<128xi32, #tpu.memory_space<vmem>>
        %dma_start3A_100 = arith.constant 0 : i32
        %dma_start3A_101 = arith.constant 0 : i32
        %dma_start3A_102 = tpu.memref_slice %arg2[%dma_start3A_100, %dma_start3A_101] : memref<10000x128xf32, #tpu.memory_space<hbm>> -> memref<10000x128xf32, #tpu.memory_space<hbm>>
        tpu.enqueue_indirect_dma source(%dma_start3A_102 : memref<10000x128xf32, #tpu.memory_space<hbm>>) target(%arg8 : memref<128x128xf32, #tpu.memory_space<vmem>>) offsets(%dma_start3A_99 : memref<128xi32, #tpu.memory_space<vmem>>) semaphore(%arg10 : memref<!tpu.dma_semaphore, #tpu.memory_space<semaphore_mem>>)
      } else {
      }
      %add3A_85 = arith.constant 1 : i32
      %add3A_86 = arith.addi %add3A_65, %add3A_85 : i32
      %dma_wait3A_87 = arith.constant 0 : i32
      %dma_wait3A_88 = tpu.memref_slice %arg6[%add3A_86, %dma_wait3A_87] : memref<40x128xi32, #tpu.memory_space<vmem>> -> memref<1x128xi32, #tpu.memory_space<vmem>>
      %dma_wait3A_89 = tpu.memref_squeeze %dma_wait3A_88 : memref<1x128xi32, #tpu.memory_space<vmem>> -> memref<128xi32, #tpu.memory_space<vmem>>
      %dma_wait3A_90 = arith.constant 0 : i32
      %dma_wait3A_91 = arith.constant 0 : i32
      %dma_wait3A_92 = tpu.memref_slice %arg2[%dma_wait3A_90, %dma_wait3A_91] : memref<10000x128xf32, #tpu.memory_space<hbm>> -> memref<10000x128xf32, #tpu.memory_space<hbm>>
      tpu.wait_indirect_dma semaphore(%arg11 : memref<!tpu.dma_semaphore, #tpu.memory_space<semaphore_mem>>) src(%dma_wait3A_92 : memref<10000x128xf32, #tpu.memory_space<hbm>>) dst(%arg9 : memref<128x128xf32, #tpu.memory_space<vmem>>)
      %add3A_93 = arith.constant 1 : i32
      %add3A_94 = arith.addi %add3A_65, %add3A_93 : i32
      "tpu.region"() ({
        %run_scoped3A = tpu.sem_alloc : memref<!tpu.dma_semaphore, #tpu.memory_space<semaphore_mem>>
        %dma_start3A_95 = arith.constant 0 : i32
        %dma_start3A_96 = tpu.memref_slice %arg7[%add3A_94, %dma_start3A_95] : memref<40x128xi32, #tpu.memory_space<vmem>> -> memref<1x128xi32, #tpu.memory_space<vmem>>
        %dma_start3A_97 = tpu.memref_squeeze %dma_start3A_96 : memref<1x128xi32, #tpu.memory_space<vmem>> -> memref<128xi32, #tpu.memory_space<vmem>>
        %dma_start3A_98 = arith.constant 0 : i32
        %dma_start3A_99 = arith.constant 0 : i32
        %dma_start3A_100 = tpu.memref_slice %arg12[%dma_start3A_98, %dma_start3A_99] : memref<10112x128xf32, #tpu.memory_space<vmem_shared>> -> memref<10112x128xf32, #tpu.memory_space<vmem_shared>>
        tpu.enqueue_indirect_dma source(%arg9 : memref<128x128xf32, #tpu.memory_space<vmem>>) target(%dma_start3A_100 : memref<10112x128xf32, #tpu.memory_space<vmem_shared>>) offsets(%dma_start3A_97 : memref<128xi32, #tpu.memory_space<vmem>>) semaphore(%run_scoped3A : memref<!tpu.dma_semaphore, #tpu.memory_space<semaphore_mem>>) {add = true}
        %dma_wait3A_101 = arith.constant 0 : i32
        %dma_wait3A_102 = tpu.memref_slice %arg7[%add3A_94, %dma_wait3A_101] : memref<40x128xi32, #tpu.memory_space<vmem>> -> memref<1x128xi32, #tpu.memory_space<vmem>>
        %dma_wait3A_103 = tpu.memref_squeeze %dma_wait3A_102 : memref<1x128xi32, #tpu.memory_space<vmem>> -> memref<128xi32, #tpu.memory_space<vmem>>
        %dma_wait3A_104 = arith.constant 0 : i32
        %dma_wait3A_105 = arith.constant 0 : i32
        %dma_wait3A_106 = tpu.memref_slice %arg12[%dma_wait3A_104, %dma_wait3A_105] : memref<10112x128xf32, #tpu.memory_space<vmem_shared>> -> memref<10112x128xf32, #tpu.memory_space<vmem_shared>>
        tpu.wait_indirect_dma semaphore(%run_scoped3A : memref<!tpu.dma_semaphore, #tpu.memory_space<semaphore_mem>>) src(%arg9 : memref<128x128xf32, #tpu.memory_space<vmem>>) dst(%dma_wait3A_106 : memref<10112x128xf32, #tpu.memory_space<vmem_shared>>)
        tpu.yield
      }) : () -> ()
    }
    %scan3A_55 = arith.constant 20 : i32
    %barrier3A_56 = arith.constant 0 : index
    tpu.barrier barrier_id(%barrier3A_56)
    %mul3A_57 = arith.constant 624 : i32
    %mul3A_58 = arith.muli %arg1, %mul3A_57 : i32
    "tpu.region"() ({
      %run_scoped3A = tpu.sem_alloc : memref<!tpu.dma_semaphore, #tpu.memory_space<semaphore_mem>>
      %dma_start3A_61 = arith.constant 0 : i32
      %dma_start3A_62 = arith.constant 0 : i32
      %dma_start3A_63 = tpu.memref_slice %arg5[%arg0, %dma_start3A_61, %dma_start3A_62] : memref<2x10000x128xf32, #tpu.memory_space<hbm>> -> memref<1x10000x128xf32, #tpu.memory_space<hbm>>
      %dma_start3A_64 = tpu.memref_squeeze %dma_start3A_63 : memref<1x10000x128xf32, #tpu.memory_space<hbm>> -> memref<10000x128xf32, #tpu.memory_space<hbm>>
      %dma_start3A_65 = arith.constant 0 : i32
      %dma_start3A_66 = tpu.memref_slice %dma_start3A_64[%mul3A_58, %dma_start3A_65] : memref<10000x128xf32, #tpu.memory_space<hbm>> -> memref<624x128xf32, #tpu.memory_space<hbm>>
      %dma_start3A_67 = arith.constant 0 : i32
      %dma_start3A_68 = tpu.memref_slice %arg12[%mul3A_58, %dma_start3A_67] : memref<10112x128xf32, #tpu.memory_space<vmem_shared>> -> memref<624x128xf32, #tpu.memory_space<vmem_shared>>
      tpu.enqueue_dma source(%dma_start3A_68 : memref<624x128xf32, #tpu.memory_space<vmem_shared>>) target(%dma_start3A_66 : memref<624x128xf32, #tpu.memory_space<hbm>>) target_semaphore(%run_scoped3A : memref<!tpu.dma_semaphore, #tpu.memory_space<semaphore_mem>>)
      %dma_wait3A = arith.constant 0 : i32
      %dma_wait3A_69 = arith.constant 0 : i32
      %dma_wait3A_70 = tpu.memref_slice %arg5[%arg0, %dma_wait3A, %dma_wait3A_69] : memref<2x10000x128xf32, #tpu.memory_space<hbm>> -> memref<1x10000x128xf32, #tpu.memory_space<hbm>>
      %dma_wait3A_71 = tpu.memref_squeeze %dma_wait3A_70 : memref<1x10000x128xf32, #tpu.memory_space<hbm>> -> memref<10000x128xf32, #tpu.memory_space<hbm>>
      %dma_wait3A_72 = arith.constant 0 : i32
      %dma_wait3A_73 = tpu.memref_slice %dma_wait3A_71[%mul3A_58, %dma_wait3A_72] : memref<10000x128xf32, #tpu.memory_space<hbm>> -> memref<624x128xf32, #tpu.memory_space<hbm>>
      %dma_wait3A_74 = arith.constant 0 : i32
      %dma_wait3A_75 = tpu.memref_slice %arg12[%mul3A_58, %dma_wait3A_74] : memref<10112x128xf32, #tpu.memory_space<vmem_shared>> -> memref<624x128xf32, #tpu.memory_space<vmem_shared>>
      tpu.wait_dma2 semaphore(%run_scoped3A : memref<!tpu.dma_semaphore, #tpu.memory_space<semaphore_mem>>) src(%dma_wait3A_75 : memref<624x128xf32, #tpu.memory_space<vmem_shared>>) dst(%dma_wait3A_73 : memref<624x128xf32, #tpu.memory_space<hbm>>)
      tpu.yield
    }) : () -> ()
    %eq3A = arith.constant 15 : i32
    %eq3A_59 = arith.cmpi eq, %arg1, %eq3A : i32
    %convert_element_type3A = arith.extui %eq3A_59 : i1 to i32
    %cond3A = arith.constant 0 : i32
    %cond3A_60 = arith.cmpi ne, %convert_element_type3A, %cond3A : i32
    scf.if %cond3A_60 {
      "tpu.region"() ({
        %run_scoped3A = tpu.sem_alloc : memref<!tpu.dma_semaphore, #tpu.memory_space<semaphore_mem>>
        %dma_start3A_61 = arith.constant 0 : i32
        %dma_start3A_62 = arith.constant 0 : i32
        %dma_start3A_63 = tpu.memref_slice %arg5[%arg0, %dma_start3A_61, %dma_start3A_62] : memref<2x10000x128xf32, #tpu.memory_space<hbm>> -> memref<1x10000x128xf32, #tpu.memory_space<hbm>>
        %dma_start3A_64 = tpu.memref_squeeze %dma_start3A_63 : memref<1x10000x128xf32, #tpu.memory_space<hbm>> -> memref<10000x128xf32, #tpu.memory_space<hbm>>
        %dma_start3A_65 = arith.constant 9984 : i32
        %dma_start3A_66 = arith.constant 0 : i32
        %dma_start3A_67 = tpu.memref_slice %dma_start3A_64[%dma_start3A_65, %dma_start3A_66] : memref<10000x128xf32, #tpu.memory_space<hbm>> -> memref<16x128xf32, #tpu.memory_space<hbm>>
        %dma_start3A_68 = arith.constant 9984 : i32
        %dma_start3A_69 = arith.constant 0 : i32
        %dma_start3A_70 = tpu.memref_slice %arg12[%dma_start3A_68, %dma_start3A_69] : memref<10112x128xf32, #tpu.memory_space<vmem_shared>> -> memref<16x128xf32, #tpu.memory_space<vmem_shared>>
        tpu.enqueue_dma source(%dma_start3A_70 : memref<16x128xf32, #tpu.memory_space<vmem_shared>>) target(%dma_start3A_67 : memref<16x128xf32, #tpu.memory_space<hbm>>) target_semaphore(%run_scoped3A : memref<!tpu.dma_semaphore, #tpu.memory_space<semaphore_mem>>)
        %dma_wait3A = arith.constant 0 : i32
        %dma_wait3A_71 = arith.constant 0 : i32
        %dma_wait3A_72 = tpu.memref_slice %arg5[%arg0, %dma_wait3A, %dma_wait3A_71] : memref<2x10000x128xf32, #tpu.memory_space<hbm>> -> memref<1x10000x128xf32, #tpu.memory_space<hbm>>
        %dma_wait3A_73 = tpu.memref_squeeze %dma_wait3A_72 : memref<1x10000x128xf32, #tpu.memory_space<hbm>> -> memref<10000x128xf32, #tpu.memory_space<hbm>>
        %dma_wait3A_74 = arith.constant 9984 : i32
        %dma_wait3A_75 = arith.constant 0 : i32
        %dma_wait3A_76 = tpu.memref_slice %dma_wait3A_73[%dma_wait3A_74, %dma_wait3A_75] : memref<10000x128xf32, #tpu.memory_space<hbm>> -> memref<16x128xf32, #tpu.memory_space<hbm>>
        %dma_wait3A_77 = arith.constant 9984 : i32
        %dma_wait3A_78 = arith.constant 0 : i32
        %dma_wait3A_79 = tpu.memref_slice %arg12[%dma_wait3A_77, %dma_wait3A_78] : memref<10112x128xf32, #tpu.memory_space<vmem_shared>> -> memref<16x128xf32, #tpu.memory_space<vmem_shared>>
        tpu.wait_dma2 semaphore(%run_scoped3A : memref<!tpu.dma_semaphore, #tpu.memory_space<semaphore_mem>>) src(%dma_wait3A_79 : memref<16x128xf32, #tpu.memory_space<vmem_shared>>) dst(%dma_wait3A_76 : memref<16x128xf32, #tpu.memory_space<hbm>>)
        tpu.yield
      }) : () -> ()
    } else {
    }
    return
  }
}

#map = affine_map<(d0, d1) -> (0, 0)>
module attributes {stable_mosaic.version = 14 : i64} {
  func.func @_sc_deg_body(%arg0: i32, %arg1: i32, %arg2: memref<2560x128xi32, #tpu.memory_space<hbm>>, %arg3: memref<32x10240xf32, #tpu.memory_space<hbm>>, %arg4: memref<80x128xi32, #tpu.memory_space<vmem>>, %arg5: memref<10240xf32, #tpu.memory_space<vmem>>) attributes {dimension_semantics = [#tpu.dimension_semantics<core_parallel>, #tpu.dimension_semantics<subcore_parallel>], iteration_bounds = array<i64: 2, 16>, scalar_prefetch = 0 : i64, scratch_operands = 2 : i64, tpu.core_type = #tpu.core_type<sc_vector_subcore>, window_params = [{transform_indices = #map}, {transform_indices = #map}]} {
    %mul3A = arith.constant 16 : i32
    %mul3A_0 = arith.muli %arg0, %mul3A : i32
    %add3A = arith.addi %mul3A_0, %arg1 : i32
    %scan3A = arith.constant 0 : i32
    %scan3A_1 = arith.constant 640 : i32
    %scan3A_2 = arith.addi %scan3A, %scan3A_1 : i32
    %scan3A_3 = arith.constant 1 : i32
    scf.for %scan3A_13 = %scan3A to %scan3A_2 step %scan3A_3  : i32 {
      %mul3A_14 = arith.constant 16 : i32
      %mul3A_15 = arith.muli %scan3A_13, %mul3A_14 : i32
      %add3A_16 = arith.constant 0 : i32
      %add3A_17 = arith.addi %add3A_16, %mul3A_15 : i32
      %broadcast_in_dim3A_18 = arith.constant 0.000000e+00 : f32
      %broadcast_in_dim3A_19 = vector.broadcast %broadcast_in_dim3A_18 : f32 to vector<16xf32>
      %swap3A = arith.index_cast %add3A_17 : i32 to index
      %swap3A_20 = tpu.vector_load %arg5[%swap3A] {strides = array<i32>} : memref<10240xf32, #tpu.memory_space<vmem>>, vector<16xf32>,
      tpu.vector_store %arg5[%swap3A], %broadcast_in_dim3A_19 {strides = array<i32>} : memref<10240xf32, #tpu.memory_space<vmem>>, vector<16xf32>,
    }
    %scan3A_4 = arith.constant 640 : i32
    %mul3A_5 = arith.constant 80 : i32
    %mul3A_6 = arith.muli %add3A, %mul3A_5 : i32
    "tpu.region"() ({
      %run_scoped3A = tpu.sem_alloc : memref<!tpu.dma_semaphore, #tpu.memory_space<semaphore_mem>>
      %dma_start3A = arith.constant 0 : i32
      %dma_start3A_13 = tpu.memref_slice %arg2[%mul3A_6, %dma_start3A] : memref<2560x128xi32, #tpu.memory_space<hbm>> -> memref<80x128xi32, #tpu.memory_space<hbm>>
      %dma_start3A_14 = arith.constant 0 : i32
      %dma_start3A_15 = tpu.memref_slice %arg2[%mul3A_6, %dma_start3A_14] : memref<2560x128xi32, #tpu.memory_space<hbm>> -> memref<80x128xi32, #tpu.memory_space<hbm>>
      tpu.enqueue_dma source(%dma_start3A_15 : memref<80x128xi32, #tpu.memory_space<hbm>>) target(%arg4 : memref<80x128xi32, #tpu.memory_space<vmem>>) target_semaphore(%run_scoped3A : memref<!tpu.dma_semaphore, #tpu.memory_space<semaphore_mem>>)
      %dma_wait3A = arith.constant 0 : i32
      %dma_wait3A_16 = tpu.memref_slice %arg2[%mul3A_6, %dma_wait3A] : memref<2560x128xi32, #tpu.memory_space<hbm>> -> memref<80x128xi32, #tpu.memory_space<hbm>>
      %dma_wait3A_17 = arith.constant 0 : i32
      %dma_wait3A_18 = tpu.memref_slice %arg2[%mul3A_6, %dma_wait3A_17] : memref<2560x128xi32, #tpu.memory_space<hbm>> -> memref<80x128xi32, #tpu.memory_space<hbm>>
      tpu.wait_dma2 semaphore(%run_scoped3A : memref<!tpu.dma_semaphore, #tpu.memory_space<semaphore_mem>>) src(%dma_wait3A_18 : memref<80x128xi32, #tpu.memory_space<hbm>>) dst(%arg4 : memref<80x128xi32, #tpu.memory_space<vmem>>)
      tpu.yield
    }) : () -> ()
    %broadcast_in_dim3A = arith.constant 1.000000e+00 : f32
    %broadcast_in_dim3A_7 = vector.broadcast %broadcast_in_dim3A : f32 to vector<16xf32>
    %scan3A_8 = arith.constant 0 : i32
    %scan3A_9 = arith.constant 80 : i32
    %scan3A_10 = arith.addi %scan3A_8, %scan3A_9 : i32
    %scan3A_11 = arith.constant 1 : i32
    scf.for %scan3A_13 = %scan3A_8 to %scan3A_10 step %scan3A_11  : i32 {
      %mul3A_14 = arith.constant 1 : i32
      %mul3A_15 = arith.muli %scan3A_13, %mul3A_14 : i32
      %add3A_16 = arith.constant 0 : i32
      %add3A_17 = arith.addi %add3A_16, %mul3A_15 : i32
      %scan3A_18 = arith.constant 0 : i32
      %scan3A_19 = arith.constant 8 : i32
      %scan3A_20 = arith.addi %scan3A_18, %scan3A_19 : i32
      %scan3A_21 = arith.constant 1 : i32
      scf.for %scan3A_23 = %scan3A_18 to %scan3A_20 step %scan3A_21  : i32 {
        %mul3A_24 = arith.constant 16 : i32
        %mul3A_25 = arith.muli %scan3A_23, %mul3A_24 : i32
        %add3A_26 = arith.constant 0 : i32
        %add3A_27 = arith.addi %add3A_26, %mul3A_25 : i32
        %get3A = arith.index_cast %add3A_17 : i32 to index
        %get3A_28 = arith.index_cast %add3A_27 : i32 to index
        %get3A_29 = tpu.vector_load %arg4[%get3A, %get3A_28] {strides = array<i32>} : memref<80x128xi32, #tpu.memory_space<vmem>>, vector<16xi32>,
        tpu.vector_store_idx %arg5[%get3A_29], %broadcast_in_dim3A_7 {add = true} : memref<10240xf32, #tpu.memory_space<vmem>>[vector<16xi32>], vector<16xf32>,
      }
      %scan3A_22 = arith.constant 8 : i32
    }
    %scan3A_12 = arith.constant 80 : i32
    "tpu.region"() ({
      %run_scoped3A = tpu.sem_alloc : memref<!tpu.dma_semaphore, #tpu.memory_space<semaphore_mem>>
      %dma_start3A = arith.constant 0 : i32
      %dma_start3A_13 = tpu.memref_slice %arg3[%add3A, %dma_start3A] : memref<32x10240xf32, #tpu.memory_space<hbm>> -> memref<1x10240xf32, #tpu.memory_space<hbm>>
      %dma_start3A_14 = tpu.memref_squeeze %dma_start3A_13 : memref<1x10240xf32, #tpu.memory_space<hbm>> -> memref<10240xf32, #tpu.memory_space<hbm>>
      %dma_start3A_15 = arith.constant 0 : i32
      %dma_start3A_16 = tpu.memref_slice %arg3[%add3A, %dma_start3A_15] : memref<32x10240xf32, #tpu.memory_space<hbm>> -> memref<1x10240xf32, #tpu.memory_space<hbm>>
      %dma_start3A_17 = tpu.memref_squeeze %dma_start3A_16 : memref<1x10240xf32, #tpu.memory_space<hbm>> -> memref<10240xf32, #tpu.memory_space<hbm>>
      tpu.enqueue_dma source(%arg5 : memref<10240xf32, #tpu.memory_space<vmem>>) target(%dma_start3A_17 : memref<10240xf32, #tpu.memory_space<hbm>>) target_semaphore(%run_scoped3A : memref<!tpu.dma_semaphore, #tpu.memory_space<semaphore_mem>>)
      %dma_wait3A = arith.constant 0 : i32
      %dma_wait3A_18 = tpu.memref_slice %arg3[%add3A, %dma_wait3A] : memref<32x10240xf32, #tpu.memory_space<hbm>> -> memref<1x10240xf32, #tpu.memory_space<hbm>>
      %dma_wait3A_19 = tpu.memref_squeeze %dma_wait3A_18 : memref<1x10240xf32, #tpu.memory_space<hbm>> -> memref<10240xf32, #tpu.memory_space<hbm>>
      %dma_wait3A_20 = arith.constant 0 : i32
      %dma_wait3A_21 = tpu.memref_slice %arg3[%add3A, %dma_wait3A_20] : memref<32x10240xf32, #tpu.memory_space<hbm>> -> memref<1x10240xf32, #tpu.memory_space<hbm>>
      %dma_wait3A_22 = tpu.memref_squeeze %dma_wait3A_21 : memref<1x10240xf32, #tpu.memory_space<hbm>> -> memref<10240xf32, #tpu.memory_space<hbm>>
      tpu.wait_dma2 semaphore(%run_scoped3A : memref<!tpu.dma_semaphore, #tpu.memory_space<semaphore_mem>>) src(%arg5 : memref<10240xf32, #tpu.memory_space<vmem>>) dst(%dma_wait3A_22 : memref<10240xf32, #tpu.memory_space<hbm>>)
      tpu.yield
    }) : () -> ()
    return
  }
}

#map = affine_map<(d0, d1) -> (0, 0)>
#map1 = affine_map<(d0, d1) -> (0, 0, 0)>
module attributes {stable_mosaic.version = 14 : i64} {
  func.func @_sc_agg_body(%arg0: i32, %arg1: i32, %arg2: memref<10000x128xf32, #tpu.memory_space<hbm>>, %arg3: memref<2560x128xi32, #tpu.memory_space<hbm>>, %arg4: memref<2560x128xi32, #tpu.memory_space<hbm>>, %arg5: memref<2x10000x128xf32, #tpu.memory_space<hbm>>, %arg6: memref<40x128xi32, #tpu.memory_space<vmem>>, %arg7: memref<40x128xi32, #tpu.memory_space<vmem>>, %arg8: memref<128x128xf32, #tpu.memory_space<vmem>>, %arg9: memref<128x128xf32, #tpu.memory_space<vmem>>, %arg10: memref<!tpu.dma_semaphore, #tpu.memory_space<semaphore_mem>>, %arg11: memref<!tpu.dma_semaphore, #tpu.memory_space<semaphore_mem>>, %arg12: memref<10112x128xf32, #tpu.memory_space<vmem_shared>>) attributes {dimension_semantics = [#tpu.dimension_semantics<core_parallel>, #tpu.dimension_semantics<subcore_parallel>], iteration_bounds = array<i64: 2, 16>, scalar_prefetch = 0 : i64, scratch_operands = 7 : i64, tpu.core_type = #tpu.core_type<sc_vector_subcore>, window_params = [{transform_indices = #map}, {transform_indices = #map}, {transform_indices = #map}, {transform_indices = #map1}]} {
    %mul3A = arith.constant 16 : i32
    %mul3A_0 = arith.muli %arg0, %mul3A : i32
    %add3A = arith.addi %mul3A_0, %arg1 : i32
    %scan3A = arith.constant 0 : i32
    %scan3A_1 = arith.constant 128 : i32
    %scan3A_2 = arith.addi %scan3A, %scan3A_1 : i32
    %scan3A_3 = arith.constant 1 : i32
    scf.for %scan3A_61 = %scan3A to %scan3A_2 step %scan3A_3  : i32 {
      %mul3A_62 = arith.constant 1 : i32
      %mul3A_63 = arith.muli %scan3A_61, %mul3A_62 : i32
      %add3A_64 = arith.constant 0 : i32
      %add3A_65 = arith.addi %add3A_64, %mul3A_63 : i32
      %scan3A_66 = arith.constant 0 : i32
      %scan3A_67 = arith.constant 8 : i32
      %scan3A_68 = arith.addi %scan3A_66, %scan3A_67 : i32
      %scan3A_69 = arith.constant 1 : i32
      scf.for %scan3A_71 = %scan3A_66 to %scan3A_68 step %scan3A_69  : i32 {
        %mul3A_72 = arith.constant 16 : i32
        %mul3A_73 = arith.muli %scan3A_71, %mul3A_72 : i32
        %add3A_74 = arith.constant 0 : i32
        %add3A_75 = arith.addi %add3A_74, %mul3A_73 : i32
        %broadcast_in_dim3A = arith.constant 0.000000e+00 : f32
        %broadcast_in_dim3A_76 = vector.broadcast %broadcast_in_dim3A : f32 to vector<16xf32>
        %swap3A = arith.index_cast %add3A_65 : i32 to index
        %swap3A_77 = arith.index_cast %add3A_75 : i32 to index
        %swap3A_78 = tpu.vector_load %arg8[%swap3A, %swap3A_77] {strides = array<i32>} : memref<128x128xf32, #tpu.memory_space<vmem>>, vector<1x16xf32>,
        %swap3A_79 = vector.shape_cast %swap3A_78 : vector<1x16xf32> to vector<16xf32>
        %swap3A_80 = vector.shape_cast %broadcast_in_dim3A_76 : vector<16xf32> to vector<1x16xf32>
        tpu.vector_store %arg8[%swap3A, %swap3A_77], %swap3A_80 {strides = array<i32>} : memref<128x128xf32, #tpu.memory_space<vmem>>, vector<1x16xf32>,
      }
      %scan3A_70 = arith.constant 8 : i32
    }
    %scan3A_4 = arith.constant 128 : i32
    %mul3A_5 = arith.constant 632 : i32
    %mul3A_6 = arith.muli %arg1, %mul3A_5 : i32
    %add3A_7 = arith.constant 0 : i32
    %add3A_8 = arith.addi %mul3A_6, %add3A_7 : i32
    "tpu.region"() ({
      %run_scoped3A = tpu.sem_alloc : memref<!tpu.dma_semaphore, #tpu.memory_space<semaphore_mem>>
      %dma_start3A_61 = arith.constant 0 : i32
      %dma_start3A_62 = tpu.memref_slice %arg12[%add3A_8, %dma_start3A_61] : memref<10112x128xf32, #tpu.memory_space<vmem_shared>> -> memref<128x128xf32, #tpu.memory_space<vmem_shared>>
      %dma_start3A_63 = arith.constant 0 : i32
      %dma_start3A_64 = tpu.memref_slice %arg12[%add3A_8, %dma_start3A_63] : memref<10112x128xf32, #tpu.memory_space<vmem_shared>> -> memref<128x128xf32, #tpu.memory_space<vmem_shared>>
      tpu.enqueue_dma source(%arg8 : memref<128x128xf32, #tpu.memory_space<vmem>>) target(%dma_start3A_64 : memref<128x128xf32, #tpu.memory_space<vmem_shared>>) target_semaphore(%run_scoped3A : memref<!tpu.dma_semaphore, #tpu.memory_space<semaphore_mem>>)
      %dma_wait3A = arith.constant 0 : i32
      %dma_wait3A_65 = tpu.memref_slice %arg12[%add3A_8, %dma_wait3A] : memref<10112x128xf32, #tpu.memory_space<vmem_shared>> -> memref<128x128xf32, #tpu.memory_space<vmem_shared>>
      %dma_wait3A_66 = arith.constant 0 : i32
      %dma_wait3A_67 = tpu.memref_slice %arg12[%add3A_8, %dma_wait3A_66] : memref<10112x128xf32, #tpu.memory_space<vmem_shared>> -> memref<128x128xf32, #tpu.memory_space<vmem_shared>>
      tpu.wait_dma2 semaphore(%run_scoped3A : memref<!tpu.dma_semaphore, #tpu.memory_space<semaphore_mem>>) src(%arg8 : memref<128x128xf32, #tpu.memory_space<vmem>>) dst(%dma_wait3A_67 : memref<128x128xf32, #tpu.memory_space<vmem_shared>>)
      tpu.yield
    }) : () -> ()
    %mul3A_9 = arith.constant 632 : i32
    %mul3A_10 = arith.muli %arg1, %mul3A_9 : i32
    %add3A_11 = arith.constant 128 : i32
    %add3A_12 = arith.addi %mul3A_10, %add3A_11 : i32
    "tpu.region"() ({
      %run_scoped3A = tpu.sem_alloc : memref<!tpu.dma_semaphore, #tpu.memory_space<semaphore_mem>>
      %dma_start3A_61 = arith.constant 0 : i32
      %dma_start3A_62 = tpu.memref_slice %arg12[%add3A_12, %dma_start3A_61] : memref<10112x128xf32, #tpu.memory_space<vmem_shared>> -> memref<128x128xf32, #tpu.memory_space<vmem_shared>>
      %dma_start3A_63 = arith.constant 0 : i32
      %dma_start3A_64 = tpu.memref_slice %arg12[%add3A_12, %dma_start3A_63] : memref<10112x128xf32, #tpu.memory_space<vmem_shared>> -> memref<128x128xf32, #tpu.memory_space<vmem_shared>>
      tpu.enqueue_dma source(%arg8 : memref<128x128xf32, #tpu.memory_space<vmem>>) target(%dma_start3A_64 : memref<128x128xf32, #tpu.memory_space<vmem_shared>>) target_semaphore(%run_scoped3A : memref<!tpu.dma_semaphore, #tpu.memory_space<semaphore_mem>>)
      %dma_wait3A = arith.constant 0 : i32
      %dma_wait3A_65 = tpu.memref_slice %arg12[%add3A_12, %dma_wait3A] : memref<10112x128xf32, #tpu.memory_space<vmem_shared>> -> memref<128x128xf32, #tpu.memory_space<vmem_shared>>
      %dma_wait3A_66 = arith.constant 0 : i32
      %dma_wait3A_67 = tpu.memref_slice %arg12[%add3A_12, %dma_wait3A_66] : memref<10112x128xf32, #tpu.memory_space<vmem_shared>> -> memref<128x128xf32, #tpu.memory_space<vmem_shared>>
      tpu.wait_dma2 semaphore(%run_scoped3A : memref<!tpu.dma_semaphore, #tpu.memory_space<semaphore_mem>>) src(%arg8 : memref<128x128xf32, #tpu.memory_space<vmem>>) dst(%dma_wait3A_67 : memref<128x128xf32, #tpu.memory_space<vmem_shared>>)
      tpu.yield
    }) : () -> ()
    %mul3A_13 = arith.constant 632 : i32
    %mul3A_14 = arith.muli %arg1, %mul3A_13 : i32
    %add3A_15 = arith.constant 256 : i32
    %add3A_16 = arith.addi %mul3A_14, %add3A_15 : i32
    "tpu.region"() ({
      %run_scoped3A = tpu.sem_alloc : memref<!tpu.dma_semaphore, #tpu.memory_space<semaphore_mem>>
      %dma_start3A_61 = arith.constant 0 : i32
      %dma_start3A_62 = tpu.memref_slice %arg12[%add3A_16, %dma_start3A_61] : memref<10112x128xf32, #tpu.memory_space<vmem_shared>> -> memref<128x128xf32, #tpu.memory_space<vmem_shared>>
      %dma_start3A_63 = arith.constant 0 : i32
      %dma_start3A_64 = tpu.memref_slice %arg12[%add3A_16, %dma_start3A_63] : memref<10112x128xf32, #tpu.memory_space<vmem_shared>> -> memref<128x128xf32, #tpu.memory_space<vmem_shared>>
      tpu.enqueue_dma source(%arg8 : memref<128x128xf32, #tpu.memory_space<vmem>>) target(%dma_start3A_64 : memref<128x128xf32, #tpu.memory_space<vmem_shared>>) target_semaphore(%run_scoped3A : memref<!tpu.dma_semaphore, #tpu.memory_space<semaphore_mem>>)
      %dma_wait3A = arith.constant 0 : i32
      %dma_wait3A_65 = tpu.memref_slice %arg12[%add3A_16, %dma_wait3A] : memref<10112x128xf32, #tpu.memory_space<vmem_shared>> -> memref<128x128xf32, #tpu.memory_space<vmem_shared>>
      %dma_wait3A_66 = arith.constant 0 : i32
      %dma_wait3A_67 = tpu.memref_slice %arg12[%add3A_16, %dma_wait3A_66] : memref<10112x128xf32, #tpu.memory_space<vmem_shared>> -> memref<128x128xf32, #tpu.memory_space<vmem_shared>>
      tpu.wait_dma2 semaphore(%run_scoped3A : memref<!tpu.dma_semaphore, #tpu.memory_space<semaphore_mem>>) src(%arg8 : memref<128x128xf32, #tpu.memory_space<vmem>>) dst(%dma_wait3A_67 : memref<128x128xf32, #tpu.memory_space<vmem_shared>>)
      tpu.yield
    }) : () -> ()
    %mul3A_17 = arith.constant 632 : i32
    %mul3A_18 = arith.muli %arg1, %mul3A_17 : i32
    %add3A_19 = arith.constant 384 : i32
    %add3A_20 = arith.addi %mul3A_18, %add3A_19 : i32
    "tpu.region"() ({
      %run_scoped3A = tpu.sem_alloc : memref<!tpu.dma_semaphore, #tpu.memory_space<semaphore_mem>>
      %dma_start3A_61 = arith.constant 0 : i32
      %dma_start3A_62 = tpu.memref_slice %arg12[%add3A_20, %dma_start3A_61] : memref<10112x128xf32, #tpu.memory_space<vmem_shared>> -> memref<128x128xf32, #tpu.memory_space<vmem_shared>>
      %dma_start3A_63 = arith.constant 0 : i32
      %dma_start3A_64 = tpu.memref_slice %arg12[%add3A_20, %dma_start3A_63] : memref<10112x128xf32, #tpu.memory_space<vmem_shared>> -> memref<128x128xf32, #tpu.memory_space<vmem_shared>>
      tpu.enqueue_dma source(%arg8 : memref<128x128xf32, #tpu.memory_space<vmem>>) target(%dma_start3A_64 : memref<128x128xf32, #tpu.memory_space<vmem_shared>>) target_semaphore(%run_scoped3A : memref<!tpu.dma_semaphore, #tpu.memory_space<semaphore_mem>>)
      %dma_wait3A = arith.constant 0 : i32
      %dma_wait3A_65 = tpu.memref_slice %arg12[%add3A_20, %dma_wait3A] : memref<10112x128xf32, #tpu.memory_space<vmem_shared>> -> memref<128x128xf32, #tpu.memory_space<vmem_shared>>
      %dma_wait3A_66 = arith.constant 0 : i32
      %dma_wait3A_67 = tpu.memref_slice %arg12[%add3A_20, %dma_wait3A_66] : memref<10112x128xf32, #tpu.memory_space<vmem_shared>> -> memref<128x128xf32, #tpu.memory_space<vmem_shared>>
      tpu.wait_dma2 semaphore(%run_scoped3A : memref<!tpu.dma_semaphore, #tpu.memory_space<semaphore_mem>>) src(%arg8 : memref<128x128xf32, #tpu.memory_space<vmem>>) dst(%dma_wait3A_67 : memref<128x128xf32, #tpu.memory_space<vmem_shared>>)
      tpu.yield
    }) : () -> ()
    %mul3A_21 = arith.constant 632 : i32
    %mul3A_22 = arith.muli %arg1, %mul3A_21 : i32
    %add3A_23 = arith.constant 512 : i32
    %add3A_24 = arith.addi %mul3A_22, %add3A_23 : i32
    "tpu.region"() ({
      %run_scoped3A = tpu.sem_alloc : memref<!tpu.dma_semaphore, #tpu.memory_space<semaphore_mem>>
      %dma_start3A_61 = arith.constant 0 : i32
      %dma_start3A_62 = arith.constant 0 : i32
      %dma_start3A_63 = tpu.memref_slice %arg8[%dma_start3A_61, %dma_start3A_62] : memref<128x128xf32, #tpu.memory_space<vmem>> -> memref<120x128xf32, #tpu.memory_space<vmem>>
      %dma_start3A_64 = arith.constant 0 : i32
      %dma_start3A_65 = tpu.memref_slice %arg12[%add3A_24, %dma_start3A_64] : memref<10112x128xf32, #tpu.memory_space<vmem_shared>> -> memref<120x128xf32, #tpu.memory_space<vmem_shared>>
      %dma_start3A_66 = arith.constant 0 : i32
      %dma_start3A_67 = tpu.memref_slice %arg12[%add3A_24, %dma_start3A_66] : memref<10112x128xf32, #tpu.memory_space<vmem_shared>> -> memref<120x128xf32, #tpu.memory_space<vmem_shared>>
      %dma_start3A_68 = arith.constant 0 : i32
      %dma_start3A_69 = arith.constant 0 : i32
      %dma_start3A_70 = tpu.memref_slice %arg8[%dma_start3A_68, %dma_start3A_69] : memref<128x128xf32, #tpu.memory_space<vmem>> -> memref<120x128xf32, #tpu.memory_space<vmem>>
      tpu.enqueue_dma source(%dma_start3A_70 : memref<120x128xf32, #tpu.memory_space<vmem>>) target(%dma_start3A_67 : memref<120x128xf32, #tpu.memory_space<vmem_shared>>) target_semaphore(%run_scoped3A : memref<!tpu.dma_semaphore, #tpu.memory_space<semaphore_mem>>)
      %dma_wait3A = arith.constant 0 : i32
      %dma_wait3A_71 = arith.constant 0 : i32
      %dma_wait3A_72 = tpu.memref_slice %arg8[%dma_wait3A, %dma_wait3A_71] : memref<128x128xf32, #tpu.memory_space<vmem>> -> memref<120x128xf32, #tpu.memory_space<vmem>>
      %dma_wait3A_73 = arith.constant 0 : i32
      %dma_wait3A_74 = tpu.memref_slice %arg12[%add3A_24, %dma_wait3A_73] : memref<10112x128xf32, #tpu.memory_space<vmem_shared>> -> memref<120x128xf32, #tpu.memory_space<vmem_shared>>
      %dma_wait3A_75 = arith.constant 0 : i32
      %dma_wait3A_76 = tpu.memref_slice %arg12[%add3A_24, %dma_wait3A_75] : memref<10112x128xf32, #tpu.memory_space<vmem_shared>> -> memref<120x128xf32, #tpu.memory_space<vmem_shared>>
      %dma_wait3A_77 = arith.constant 0 : i32
      %dma_wait3A_78 = arith.constant 0 : i32
      %dma_wait3A_79 = tpu.memref_slice %arg8[%dma_wait3A_77, %dma_wait3A_78] : memref<128x128xf32, #tpu.memory_space<vmem>> -> memref<120x128xf32, #tpu.memory_space<vmem>>
      tpu.wait_dma2 semaphore(%run_scoped3A : memref<!tpu.dma_semaphore, #tpu.memory_space<semaphore_mem>>) src(%dma_wait3A_79 : memref<120x128xf32, #tpu.memory_space<vmem>>) dst(%dma_wait3A_76 : memref<120x128xf32, #tpu.memory_space<vmem_shared>>)
      tpu.yield
    }) : () -> ()
    %barrier3A = arith.constant 0 : index
    tpu.barrier barrier_id(%barrier3A)
    %mul3A_25 = arith.constant 80 : i32
    %mul3A_26 = arith.muli %add3A, %mul3A_25 : i32
    %add3A_27 = arith.constant 0 : i32
    %add3A_28 = arith.addi %mul3A_26, %add3A_27 : i32
    "tpu.region"() ({
      %run_scoped3A = tpu.sem_alloc : memref<!tpu.dma_semaphore, #tpu.memory_space<semaphore_mem>>
      %dma_start3A_61 = arith.constant 0 : i32
      %dma_start3A_62 = tpu.memref_slice %arg3[%add3A_28, %dma_start3A_61] : memref<2560x128xi32, #tpu.memory_space<hbm>> -> memref<40x128xi32, #tpu.memory_space<hbm>>
      %dma_start3A_63 = arith.constant 0 : i32
      %dma_start3A_64 = tpu.memref_slice %arg3[%add3A_28, %dma_start3A_63] : memref<2560x128xi32, #tpu.memory_space<hbm>> -> memref<40x128xi32, #tpu.memory_space<hbm>>
      tpu.enqueue_dma source(%dma_start3A_64 : memref<40x128xi32, #tpu.memory_space<hbm>>) target(%arg6 : memref<40x128xi32, #tpu.memory_space<vmem>>) target_semaphore(%run_scoped3A : memref<!tpu.dma_semaphore, #tpu.memory_space<semaphore_mem>>)
      %dma_wait3A = arith.constant 0 : i32
      %dma_wait3A_65 = tpu.memref_slice %arg3[%add3A_28, %dma_wait3A] : memref<2560x128xi32, #tpu.memory_space<hbm>> -> memref<40x128xi32, #tpu.memory_space<hbm>>
      %dma_wait3A_66 = arith.constant 0 : i32
      %dma_wait3A_67 = tpu.memref_slice %arg3[%add3A_28, %dma_wait3A_66] : memref<2560x128xi32, #tpu.memory_space<hbm>> -> memref<40x128xi32, #tpu.memory_space<hbm>>
      tpu.wait_dma2 semaphore(%run_scoped3A : memref<!tpu.dma_semaphore, #tpu.memory_space<semaphore_mem>>) src(%dma_wait3A_67 : memref<40x128xi32, #tpu.memory_space<hbm>>) dst(%arg6 : memref<40x128xi32, #tpu.memory_space<vmem>>)
      tpu.yield
    }) : () -> ()
    "tpu.region"() ({
      %run_scoped3A = tpu.sem_alloc : memref<!tpu.dma_semaphore, #tpu.memory_space<semaphore_mem>>
      %dma_start3A_61 = arith.constant 0 : i32
      %dma_start3A_62 = tpu.memref_slice %arg4[%add3A_28, %dma_start3A_61] : memref<2560x128xi32, #tpu.memory_space<hbm>> -> memref<40x128xi32, #tpu.memory_space<hbm>>
      %dma_start3A_63 = arith.constant 0 : i32
      %dma_start3A_64 = tpu.memref_slice %arg4[%add3A_28, %dma_start3A_63] : memref<2560x128xi32, #tpu.memory_space<hbm>> -> memref<40x128xi32, #tpu.memory_space<hbm>>
      tpu.enqueue_dma source(%dma_start3A_64 : memref<40x128xi32, #tpu.memory_space<hbm>>) target(%arg7 : memref<40x128xi32, #tpu.memory_space<vmem>>) target_semaphore(%run_scoped3A : memref<!tpu.dma_semaphore, #tpu.memory_space<semaphore_mem>>)
      %dma_wait3A = arith.constant 0 : i32
      %dma_wait3A_65 = tpu.memref_slice %arg4[%add3A_28, %dma_wait3A] : memref<2560x128xi32, #tpu.memory_space<hbm>> -> memref<40x128xi32, #tpu.memory_space<hbm>>
      %dma_wait3A_66 = arith.constant 0 : i32
      %dma_wait3A_67 = tpu.memref_slice %arg4[%add3A_28, %dma_wait3A_66] : memref<2560x128xi32, #tpu.memory_space<hbm>> -> memref<40x128xi32, #tpu.memory_space<hbm>>
      tpu.wait_dma2 semaphore(%run_scoped3A : memref<!tpu.dma_semaphore, #tpu.memory_space<semaphore_mem>>) src(%dma_wait3A_67 : memref<40x128xi32, #tpu.memory_space<hbm>>) dst(%arg7 : memref<40x128xi32, #tpu.memory_space<vmem>>)
      tpu.yield
    }) : () -> ()
    %dma_start3A = arith.constant 0 : i32
    %dma_start3A_29 = arith.constant 0 : i32
    %dma_start3A_30 = tpu.memref_slice %arg6[%dma_start3A, %dma_start3A_29] : memref<40x128xi32, #tpu.memory_space<vmem>> -> memref<1x128xi32, #tpu.memory_space<vmem>>
    %dma_start3A_31 = tpu.memref_squeeze %dma_start3A_30 : memref<1x128xi32, #tpu.memory_space<vmem>> -> memref<128xi32, #tpu.memory_space<vmem>>
    %dma_start3A_32 = arith.constant 0 : i32
    %dma_start3A_33 = arith.constant 0 : i32
    %dma_start3A_34 = tpu.memref_slice %arg2[%dma_start3A_32, %dma_start3A_33] : memref<10000x128xf32, #tpu.memory_space<hbm>> -> memref<10000x128xf32, #tpu.memory_space<hbm>>
    tpu.enqueue_indirect_dma source(%dma_start3A_34 : memref<10000x128xf32, #tpu.memory_space<hbm>>) target(%arg8 : memref<128x128xf32, #tpu.memory_space<vmem>>) offsets(%dma_start3A_31 : memref<128xi32, #tpu.memory_space<vmem>>) semaphore(%arg10 : memref<!tpu.dma_semaphore, #tpu.memory_space<semaphore_mem>>)
    %scan3A_35 = arith.constant 0 : i32
    %scan3A_36 = arith.constant 20 : i32
    %scan3A_37 = arith.addi %scan3A_35, %scan3A_36 : i32
    %scan3A_38 = arith.constant 1 : i32
    scf.for %scan3A_61 = %scan3A_35 to %scan3A_37 step %scan3A_38  : i32 {
      %mul3A_62 = arith.constant 2 : i32
      %mul3A_63 = arith.muli %scan3A_61, %mul3A_62 : i32
      %add3A_64 = arith.constant 0 : i32
      %add3A_65 = arith.addi %add3A_64, %mul3A_63 : i32
      %dma_wait3A = arith.constant 0 : i32
      %dma_wait3A_66 = tpu.memref_slice %arg6[%add3A_65, %dma_wait3A] : memref<40x128xi32, #tpu.memory_space<vmem>> -> memref<1x128xi32, #tpu.memory_space<vmem>>
      %dma_wait3A_67 = tpu.memref_squeeze %dma_wait3A_66 : memref<1x128xi32, #tpu.memory_space<vmem>> -> memref<128xi32, #tpu.memory_space<vmem>>
      %dma_wait3A_68 = arith.constant 0 : i32
      %dma_wait3A_69 = arith.constant 0 : i32
      %dma_wait3A_70 = tpu.memref_slice %arg2[%dma_wait3A_68, %dma_wait3A_69] : memref<10000x128xf32, #tpu.memory_space<hbm>> -> memref<10000x128xf32, #tpu.memory_space<hbm>>
      tpu.wait_indirect_dma semaphore(%arg10 : memref<!tpu.dma_semaphore, #tpu.memory_space<semaphore_mem>>) src(%dma_wait3A_70 : memref<10000x128xf32, #tpu.memory_space<hbm>>) dst(%arg8 : memref<128x128xf32, #tpu.memory_space<vmem>>)
      %add3A_71 = arith.constant 1 : i32
      %add3A_72 = arith.addi %add3A_65, %add3A_71 : i32
      %dma_start3A_73 = arith.constant 0 : i32
      %dma_start3A_74 = tpu.memref_slice %arg6[%add3A_72, %dma_start3A_73] : memref<40x128xi32, #tpu.memory_space<vmem>> -> memref<1x128xi32, #tpu.memory_space<vmem>>
      %dma_start3A_75 = tpu.memref_squeeze %dma_start3A_74 : memref<1x128xi32, #tpu.memory_space<vmem>> -> memref<128xi32, #tpu.memory_space<vmem>>
      %dma_start3A_76 = arith.constant 0 : i32
      %dma_start3A_77 = arith.constant 0 : i32
      %dma_start3A_78 = tpu.memref_slice %arg2[%dma_start3A_76, %dma_start3A_77] : memref<10000x128xf32, #tpu.memory_space<hbm>> -> memref<10000x128xf32, #tpu.memory_space<hbm>>
      tpu.enqueue_indirect_dma source(%dma_start3A_78 : memref<10000x128xf32, #tpu.memory_space<hbm>>) target(%arg9 : memref<128x128xf32, #tpu.memory_space<vmem>>) offsets(%dma_start3A_75 : memref<128xi32, #tpu.memory_space<vmem>>) semaphore(%arg11 : memref<!tpu.dma_semaphore, #tpu.memory_space<semaphore_mem>>)
      "tpu.region"() ({
        %run_scoped3A = tpu.sem_alloc : memref<!tpu.dma_semaphore, #tpu.memory_space<semaphore_mem>>
        %dma_start3A_95 = arith.constant 0 : i32
        %dma_start3A_96 = tpu.memref_slice %arg7[%add3A_65, %dma_start3A_95] : memref<40x128xi32, #tpu.memory_space<vmem>> -> memref<1x128xi32, #tpu.memory_space<vmem>>
        %dma_start3A_97 = tpu.memref_squeeze %dma_start3A_96 : memref<1x128xi32, #tpu.memory_space<vmem>> -> memref<128xi32, #tpu.memory_space<vmem>>
        %dma_start3A_98 = arith.constant 0 : i32
        %dma_start3A_99 = arith.constant 0 : i32
        %dma_start3A_100 = tpu.memref_slice %arg12[%dma_start3A_98, %dma_start3A_99] : memref<10112x128xf32, #tpu.memory_space<vmem_shared>> -> memref<10112x128xf32, #tpu.memory_space<vmem_shared>>
        tpu.enqueue_indirect_dma source(%arg8 : memref<128x128xf32, #tpu.memory_space<vmem>>) target(%dma_start3A_100 : memref<10112x128xf32, #tpu.memory_space<vmem_shared>>) offsets(%dma_start3A_97 : memref<128xi32, #tpu.memory_space<vmem>>) semaphore(%run_scoped3A : memref<!tpu.dma_semaphore, #tpu.memory_space<semaphore_mem>>) {add = true}
        %dma_wait3A_101 = arith.constant 0 : i32
        %dma_wait3A_102 = tpu.memref_slice %arg7[%add3A_65, %dma_wait3A_101] : memref<40x128xi32, #tpu.memory_space<vmem>> -> memref<1x128xi32, #tpu.memory_space<vmem>>
        %dma_wait3A_103 = tpu.memref_squeeze %dma_wait3A_102 : memref<1x128xi32, #tpu.memory_space<vmem>> -> memref<128xi32, #tpu.memory_space<vmem>>
        %dma_wait3A_104 = arith.constant 0 : i32
        %dma_wait3A_105 = arith.constant 0 : i32
        %dma_wait3A_106 = tpu.memref_slice %arg12[%dma_wait3A_104, %dma_wait3A_105] : memref<10112x128xf32, #tpu.memory_space<vmem_shared>> -> memref<10112x128xf32, #tpu.memory_space<vmem_shared>>
        tpu.wait_indirect_dma semaphore(%run_scoped3A : memref<!tpu.dma_semaphore, #tpu.memory_space<semaphore_mem>>) src(%arg8 : memref<128x128xf32, #tpu.memory_space<vmem>>) dst(%dma_wait3A_106 : memref<10112x128xf32, #tpu.memory_space<vmem_shared>>)
        tpu.yield
      }) : () -> ()
      %add3A_79 = arith.constant 2 : i32
      %add3A_80 = arith.addi %add3A_65, %add3A_79 : i32
      %lt3A = arith.constant 40 : i32
      %lt3A_81 = arith.cmpi slt, %add3A_80, %lt3A : i32
      %convert_element_type3A_82 = arith.extui %lt3A_81 : i1 to i32
      %cond3A_83 = arith.constant 0 : i32
      %cond3A_84 = arith.cmpi ne, %convert_element_type3A_82, %cond3A_83 : i32
      scf.if %cond3A_84 {
        %add3A_95 = arith.constant 2 : i32
        %add3A_96 = arith.addi %add3A_65, %add3A_95 : i32
        %dma_start3A_97 = arith.constant 0 : i32
        %dma_start3A_98 = tpu.memref_slice %arg6[%add3A_96, %dma_start3A_97] : memref<40x128xi32, #tpu.memory_space<vmem>> -> memref<1x128xi32, #tpu.memory_space<vmem>>
        %dma_start3A_99 = tpu.memref_squeeze %dma_start3A_98 : memref<1x128xi32, #tpu.memory_space<vmem>> -> memref<128xi32, #tpu.memory_space<vmem>>
        %dma_start3A_100 = arith.constant 0 : i32
        %dma_start3A_101 = arith.constant 0 : i32
        %dma_start3A_102 = tpu.memref_slice %arg2[%dma_start3A_100, %dma_start3A_101] : memref<10000x128xf32, #tpu.memory_space<hbm>> -> memref<10000x128xf32, #tpu.memory_space<hbm>>
        tpu.enqueue_indirect_dma source(%dma_start3A_102 : memref<10000x128xf32, #tpu.memory_space<hbm>>) target(%arg8 : memref<128x128xf32, #tpu.memory_space<vmem>>) offsets(%dma_start3A_99 : memref<128xi32, #tpu.memory_space<vmem>>) semaphore(%arg10 : memref<!tpu.dma_semaphore, #tpu.memory_space<semaphore_mem>>)
      } else {
      }
      %add3A_85 = arith.constant 1 : i32
      %add3A_86 = arith.addi %add3A_65, %add3A_85 : i32
      %dma_wait3A_87 = arith.constant 0 : i32
      %dma_wait3A_88 = tpu.memref_slice %arg6[%add3A_86, %dma_wait3A_87] : memref<40x128xi32, #tpu.memory_space<vmem>> -> memref<1x128xi32, #tpu.memory_space<vmem>>
      %dma_wait3A_89 = tpu.memref_squeeze %dma_wait3A_88 : memref<1x128xi32, #tpu.memory_space<vmem>> -> memref<128xi32, #tpu.memory_space<vmem>>
      %dma_wait3A_90 = arith.constant 0 : i32
      %dma_wait3A_91 = arith.constant 0 : i32
      %dma_wait3A_92 = tpu.memref_slice %arg2[%dma_wait3A_90, %dma_wait3A_91] : memref<10000x128xf32, #tpu.memory_space<hbm>> -> memref<10000x128xf32, #tpu.memory_space<hbm>>
      tpu.wait_indirect_dma semaphore(%arg11 : memref<!tpu.dma_semaphore, #tpu.memory_space<semaphore_mem>>) src(%dma_wait3A_92 : memref<10000x128xf32, #tpu.memory_space<hbm>>) dst(%arg9 : memref<128x128xf32, #tpu.memory_space<vmem>>)
      %add3A_93 = arith.constant 1 : i32
      %add3A_94 = arith.addi %add3A_65, %add3A_93 : i32
      "tpu.region"() ({
        %run_scoped3A = tpu.sem_alloc : memref<!tpu.dma_semaphore, #tpu.memory_space<semaphore_mem>>
        %dma_start3A_95 = arith.constant 0 : i32
        %dma_start3A_96 = tpu.memref_slice %arg7[%add3A_94, %dma_start3A_95] : memref<40x128xi32, #tpu.memory_space<vmem>> -> memref<1x128xi32, #tpu.memory_space<vmem>>
        %dma_start3A_97 = tpu.memref_squeeze %dma_start3A_96 : memref<1x128xi32, #tpu.memory_space<vmem>> -> memref<128xi32, #tpu.memory_space<vmem>>
        %dma_start3A_98 = arith.constant 0 : i32
        %dma_start3A_99 = arith.constant 0 : i32
        %dma_start3A_100 = tpu.memref_slice %arg12[%dma_start3A_98, %dma_start3A_99] : memref<10112x128xf32, #tpu.memory_space<vmem_shared>> -> memref<10112x128xf32, #tpu.memory_space<vmem_shared>>
        tpu.enqueue_indirect_dma source(%arg9 : memref<128x128xf32, #tpu.memory_space<vmem>>) target(%dma_start3A_100 : memref<10112x128xf32, #tpu.memory_space<vmem_shared>>) offsets(%dma_start3A_97 : memref<128xi32, #tpu.memory_space<vmem>>) semaphore(%run_scoped3A : memref<!tpu.dma_semaphore, #tpu.memory_space<semaphore_mem>>) {add = true}
        %dma_wait3A_101 = arith.constant 0 : i32
        %dma_wait3A_102 = tpu.memref_slice %arg7[%add3A_94, %dma_wait3A_101] : memref<40x128xi32, #tpu.memory_space<vmem>> -> memref<1x128xi32, #tpu.memory_space<vmem>>
        %dma_wait3A_103 = tpu.memref_squeeze %dma_wait3A_102 : memref<1x128xi32, #tpu.memory_space<vmem>> -> memref<128xi32, #tpu.memory_space<vmem>>
        %dma_wait3A_104 = arith.constant 0 : i32
        %dma_wait3A_105 = arith.constant 0 : i32
        %dma_wait3A_106 = tpu.memref_slice %arg12[%dma_wait3A_104, %dma_wait3A_105] : memref<10112x128xf32, #tpu.memory_space<vmem_shared>> -> memref<10112x128xf32, #tpu.memory_space<vmem_shared>>
        tpu.wait_indirect_dma semaphore(%run_scoped3A : memref<!tpu.dma_semaphore, #tpu.memory_space<semaphore_mem>>) src(%arg9 : memref<128x128xf32, #tpu.memory_space<vmem>>) dst(%dma_wait3A_106 : memref<10112x128xf32, #tpu.memory_space<vmem_shared>>)
        tpu.yield
      }) : () -> ()
    }
    %scan3A_39 = arith.constant 20 : i32
    %mul3A_40 = arith.constant 80 : i32
    %mul3A_41 = arith.muli %add3A, %mul3A_40 : i32
    %add3A_42 = arith.constant 40 : i32
    %add3A_43 = arith.addi %mul3A_41, %add3A_42 : i32
    "tpu.region"() ({
      %run_scoped3A = tpu.sem_alloc : memref<!tpu.dma_semaphore, #tpu.memory_space<semaphore_mem>>
      %dma_start3A_61 = arith.constant 0 : i32
      %dma_start3A_62 = tpu.memref_slice %arg3[%add3A_43, %dma_start3A_61] : memref<2560x128xi32, #tpu.memory_space<hbm>> -> memref<40x128xi32, #tpu.memory_space<hbm>>
      %dma_start3A_63 = arith.constant 0 : i32
      %dma_start3A_64 = tpu.memref_slice %arg3[%add3A_43, %dma_start3A_63] : memref<2560x128xi32, #tpu.memory_space<hbm>> -> memref<40x128xi32, #tpu.memory_space<hbm>>
      tpu.enqueue_dma source(%dma_start3A_64 : memref<40x128xi32, #tpu.memory_space<hbm>>) target(%arg6 : memref<40x128xi32, #tpu.memory_space<vmem>>) target_semaphore(%run_scoped3A : memref<!tpu.dma_semaphore, #tpu.memory_space<semaphore_mem>>)
      %dma_wait3A = arith.constant 0 : i32
      %dma_wait3A_65 = tpu.memref_slice %arg3[%add3A_43, %dma_wait3A] : memref<2560x128xi32, #tpu.memory_space<hbm>> -> memref<40x128xi32, #tpu.memory_space<hbm>>
      %dma_wait3A_66 = arith.constant 0 : i32
      %dma_wait3A_67 = tpu.memref_slice %arg3[%add3A_43, %dma_wait3A_66] : memref<2560x128xi32, #tpu.memory_space<hbm>> -> memref<40x128xi32, #tpu.memory_space<hbm>>
      tpu.wait_dma2 semaphore(%run_scoped3A : memref<!tpu.dma_semaphore, #tpu.memory_space<semaphore_mem>>) src(%dma_wait3A_67 : memref<40x128xi32, #tpu.memory_space<hbm>>) dst(%arg6 : memref<40x128xi32, #tpu.memory_space<vmem>>)
      tpu.yield
    }) : () -> ()
    "tpu.region"() ({
      %run_scoped3A = tpu.sem_alloc : memref<!tpu.dma_semaphore, #tpu.memory_space<semaphore_mem>>
      %dma_start3A_61 = arith.constant 0 : i32
      %dma_start3A_62 = tpu.memref_slice %arg4[%add3A_43, %dma_start3A_61] : memref<2560x128xi32, #tpu.memory_space<hbm>> -> memref<40x128xi32, #tpu.memory_space<hbm>>
      %dma_start3A_63 = arith.constant 0 : i32
      %dma_start3A_64 = tpu.memref_slice %arg4[%add3A_43, %dma_start3A_63] : memref<2560x128xi32, #tpu.memory_space<hbm>> -> memref<40x128xi32, #tpu.memory_space<hbm>>
      tpu.enqueue_dma source(%dma_start3A_64 : memref<40x128xi32, #tpu.memory_space<hbm>>) target(%arg7 : memref<40x128xi32, #tpu.memory_space<vmem>>) target_semaphore(%run_scoped3A : memref<!tpu.dma_semaphore, #tpu.memory_space<semaphore_mem>>)
      %dma_wait3A = arith.constant 0 : i32
      %dma_wait3A_65 = tpu.memref_slice %arg4[%add3A_43, %dma_wait3A] : memref<2560x128xi32, #tpu.memory_space<hbm>> -> memref<40x128xi32, #tpu.memory_space<hbm>>
      %dma_wait3A_66 = arith.constant 0 : i32
      %dma_wait3A_67 = tpu.memref_slice %arg4[%add3A_43, %dma_wait3A_66] : memref<2560x128xi32, #tpu.memory_space<hbm>> -> memref<40x128xi32, #tpu.memory_space<hbm>>
      tpu.wait_dma2 semaphore(%run_scoped3A : memref<!tpu.dma_semaphore, #tpu.memory_space<semaphore_mem>>) src(%dma_wait3A_67 : memref<40x128xi32, #tpu.memory_space<hbm>>) dst(%arg7 : memref<40x128xi32, #tpu.memory_space<vmem>>)
      tpu.yield
    }) : () -> ()
    %dma_start3A_44 = arith.constant 0 : i32
    %dma_start3A_45 = arith.constant 0 : i32
    %dma_start3A_46 = tpu.memref_slice %arg6[%dma_start3A_44, %dma_start3A_45] : memref<40x128xi32, #tpu.memory_space<vmem>> -> memref<1x128xi32, #tpu.memory_space<vmem>>
    %dma_start3A_47 = tpu.memref_squeeze %dma_start3A_46 : memref<1x128xi32, #tpu.memory_space<vmem>> -> memref<128xi32, #tpu.memory_space<vmem>>
    %dma_start3A_48 = arith.constant 0 : i32
    %dma_start3A_49 = arith.constant 0 : i32
    %dma_start3A_50 = tpu.memref_slice %arg2[%dma_start3A_48, %dma_start3A_49] : memref<10000x128xf32, #tpu.memory_space<hbm>> -> memref<10000x128xf32, #tpu.memory_space<hbm>>
    tpu.enqueue_indirect_dma source(%dma_start3A_50 : memref<10000x128xf32, #tpu.memory_space<hbm>>) target(%arg8 : memref<128x128xf32, #tpu.memory_space<vmem>>) offsets(%dma_start3A_47 : memref<128xi32, #tpu.memory_space<vmem>>) semaphore(%arg10 : memref<!tpu.dma_semaphore, #tpu.memory_space<semaphore_mem>>)
    %scan3A_51 = arith.constant 0 : i32
    %scan3A_52 = arith.constant 20 : i32
    %scan3A_53 = arith.addi %scan3A_51, %scan3A_52 : i32
    %scan3A_54 = arith.constant 1 : i32
    scf.for %scan3A_61 = %scan3A_51 to %scan3A_53 step %scan3A_54  : i32 {
      %mul3A_62 = arith.constant 2 : i32
      %mul3A_63 = arith.muli %scan3A_61, %mul3A_62 : i32
      %add3A_64 = arith.constant 0 : i32
      %add3A_65 = arith.addi %add3A_64, %mul3A_63 : i32
      %dma_wait3A = arith.constant 0 : i32
      %dma_wait3A_66 = tpu.memref_slice %arg6[%add3A_65, %dma_wait3A] : memref<40x128xi32, #tpu.memory_space<vmem>> -> memref<1x128xi32, #tpu.memory_space<vmem>>
      %dma_wait3A_67 = tpu.memref_squeeze %dma_wait3A_66 : memref<1x128xi32, #tpu.memory_space<vmem>> -> memref<128xi32, #tpu.memory_space<vmem>>
      %dma_wait3A_68 = arith.constant 0 : i32
      %dma_wait3A_69 = arith.constant 0 : i32
      %dma_wait3A_70 = tpu.memref_slice %arg2[%dma_wait3A_68, %dma_wait3A_69] : memref<10000x128xf32, #tpu.memory_space<hbm>> -> memref<10000x128xf32, #tpu.memory_space<hbm>>
      tpu.wait_indirect_dma semaphore(%arg10 : memref<!tpu.dma_semaphore, #tpu.memory_space<semaphore_mem>>) src(%dma_wait3A_70 : memref<10000x128xf32, #tpu.memory_space<hbm>>) dst(%arg8 : memref<128x128xf32, #tpu.memory_space<vmem>>)
      %add3A_71 = arith.constant 1 : i32
      %add3A_72 = arith.addi %add3A_65, %add3A_71 : i32
      %dma_start3A_73 = arith.constant 0 : i32
      %dma_start3A_74 = tpu.memref_slice %arg6[%add3A_72, %dma_start3A_73] : memref<40x128xi32, #tpu.memory_space<vmem>> -> memref<1x128xi32, #tpu.memory_space<vmem>>
      %dma_start3A_75 = tpu.memref_squeeze %dma_start3A_74 : memref<1x128xi32, #tpu.memory_space<vmem>> -> memref<128xi32, #tpu.memory_space<vmem>>
      %dma_start3A_76 = arith.constant 0 : i32
      %dma_start3A_77 = arith.constant 0 : i32
      %dma_start3A_78 = tpu.memref_slice %arg2[%dma_start3A_76, %dma_start3A_77] : memref<10000x128xf32, #tpu.memory_space<hbm>> -> memref<10000x128xf32, #tpu.memory_space<hbm>>
      tpu.enqueue_indirect_dma source(%dma_start3A_78 : memref<10000x128xf32, #tpu.memory_space<hbm>>) target(%arg9 : memref<128x128xf32, #tpu.memory_space<vmem>>) offsets(%dma_start3A_75 : memref<128xi32, #tpu.memory_space<vmem>>) semaphore(%arg11 : memref<!tpu.dma_semaphore, #tpu.memory_space<semaphore_mem>>)
      "tpu.region"() ({
        %run_scoped3A = tpu.sem_alloc : memref<!tpu.dma_semaphore, #tpu.memory_space<semaphore_mem>>
        %dma_start3A_95 = arith.constant 0 : i32
        %dma_start3A_96 = tpu.memref_slice %arg7[%add3A_65, %dma_start3A_95] : memref<40x128xi32, #tpu.memory_space<vmem>> -> memref<1x128xi32, #tpu.memory_space<vmem>>
        %dma_start3A_97 = tpu.memref_squeeze %dma_start3A_96 : memref<1x128xi32, #tpu.memory_space<vmem>> -> memref<128xi32, #tpu.memory_space<vmem>>
        %dma_start3A_98 = arith.constant 0 : i32
        %dma_start3A_99 = arith.constant 0 : i32
        %dma_start3A_100 = tpu.memref_slice %arg12[%dma_start3A_98, %dma_start3A_99] : memref<10112x128xf32, #tpu.memory_space<vmem_shared>> -> memref<10112x128xf32, #tpu.memory_space<vmem_shared>>
        tpu.enqueue_indirect_dma source(%arg8 : memref<128x128xf32, #tpu.memory_space<vmem>>) target(%dma_start3A_100 : memref<10112x128xf32, #tpu.memory_space<vmem_shared>>) offsets(%dma_start3A_97 : memref<128xi32, #tpu.memory_space<vmem>>) semaphore(%run_scoped3A : memref<!tpu.dma_semaphore, #tpu.memory_space<semaphore_mem>>) {add = true}
        %dma_wait3A_101 = arith.constant 0 : i32
        %dma_wait3A_102 = tpu.memref_slice %arg7[%add3A_65, %dma_wait3A_101] : memref<40x128xi32, #tpu.memory_space<vmem>> -> memref<1x128xi32, #tpu.memory_space<vmem>>
        %dma_wait3A_103 = tpu.memref_squeeze %dma_wait3A_102 : memref<1x128xi32, #tpu.memory_space<vmem>> -> memref<128xi32, #tpu.memory_space<vmem>>
        %dma_wait3A_104 = arith.constant 0 : i32
        %dma_wait3A_105 = arith.constant 0 : i32
        %dma_wait3A_106 = tpu.memref_slice %arg12[%dma_wait3A_104, %dma_wait3A_105] : memref<10112x128xf32, #tpu.memory_space<vmem_shared>> -> memref<10112x128xf32, #tpu.memory_space<vmem_shared>>
        tpu.wait_indirect_dma semaphore(%run_scoped3A : memref<!tpu.dma_semaphore, #tpu.memory_space<semaphore_mem>>) src(%arg8 : memref<128x128xf32, #tpu.memory_space<vmem>>) dst(%dma_wait3A_106 : memref<10112x128xf32, #tpu.memory_space<vmem_shared>>)
        tpu.yield
      }) : () -> ()
      %add3A_79 = arith.constant 2 : i32
      %add3A_80 = arith.addi %add3A_65, %add3A_79 : i32
      %lt3A = arith.constant 40 : i32
      %lt3A_81 = arith.cmpi slt, %add3A_80, %lt3A : i32
      %convert_element_type3A_82 = arith.extui %lt3A_81 : i1 to i32
      %cond3A_83 = arith.constant 0 : i32
      %cond3A_84 = arith.cmpi ne, %convert_element_type3A_82, %cond3A_83 : i32
      scf.if %cond3A_84 {
        %add3A_95 = arith.constant 2 : i32
        %add3A_96 = arith.addi %add3A_65, %add3A_95 : i32
        %dma_start3A_97 = arith.constant 0 : i32
        %dma_start3A_98 = tpu.memref_slice %arg6[%add3A_96, %dma_start3A_97] : memref<40x128xi32, #tpu.memory_space<vmem>> -> memref<1x128xi32, #tpu.memory_space<vmem>>
        %dma_start3A_99 = tpu.memref_squeeze %dma_start3A_98 : memref<1x128xi32, #tpu.memory_space<vmem>> -> memref<128xi32, #tpu.memory_space<vmem>>
        %dma_start3A_100 = arith.constant 0 : i32
        %dma_start3A_101 = arith.constant 0 : i32
        %dma_start3A_102 = tpu.memref_slice %arg2[%dma_start3A_100, %dma_start3A_101] : memref<10000x128xf32, #tpu.memory_space<hbm>> -> memref<10000x128xf32, #tpu.memory_space<hbm>>
        tpu.enqueue_indirect_dma source(%dma_start3A_102 : memref<10000x128xf32, #tpu.memory_space<hbm>>) target(%arg8 : memref<128x128xf32, #tpu.memory_space<vmem>>) offsets(%dma_start3A_99 : memref<128xi32, #tpu.memory_space<vmem>>) semaphore(%arg10 : memref<!tpu.dma_semaphore, #tpu.memory_space<semaphore_mem>>)
      } else {
      }
      %add3A_85 = arith.constant 1 : i32
      %add3A_86 = arith.addi %add3A_65, %add3A_85 : i32
      %dma_wait3A_87 = arith.constant 0 : i32
      %dma_wait3A_88 = tpu.memref_slice %arg6[%add3A_86, %dma_wait3A_87] : memref<40x128xi32, #tpu.memory_space<vmem>> -> memref<1x128xi32, #tpu.memory_space<vmem>>
      %dma_wait3A_89 = tpu.memref_squeeze %dma_wait3A_88 : memref<1x128xi32, #tpu.memory_space<vmem>> -> memref<128xi32, #tpu.memory_space<vmem>>
      %dma_wait3A_90 = arith.constant 0 : i32
      %dma_wait3A_91 = arith.constant 0 : i32
      %dma_wait3A_92 = tpu.memref_slice %arg2[%dma_wait3A_90, %dma_wait3A_91] : memref<10000x128xf32, #tpu.memory_space<hbm>> -> memref<10000x128xf32, #tpu.memory_space<hbm>>
      tpu.wait_indirect_dma semaphore(%arg11 : memref<!tpu.dma_semaphore, #tpu.memory_space<semaphore_mem>>) src(%dma_wait3A_92 : memref<10000x128xf32, #tpu.memory_space<hbm>>) dst(%arg9 : memref<128x128xf32, #tpu.memory_space<vmem>>)
      %add3A_93 = arith.constant 1 : i32
      %add3A_94 = arith.addi %add3A_65, %add3A_93 : i32
      "tpu.region"() ({
        %run_scoped3A = tpu.sem_alloc : memref<!tpu.dma_semaphore, #tpu.memory_space<semaphore_mem>>
        %dma_start3A_95 = arith.constant 0 : i32
        %dma_start3A_96 = tpu.memref_slice %arg7[%add3A_94, %dma_start3A_95] : memref<40x128xi32, #tpu.memory_space<vmem>> -> memref<1x128xi32, #tpu.memory_space<vmem>>
        %dma_start3A_97 = tpu.memref_squeeze %dma_start3A_96 : memref<1x128xi32, #tpu.memory_space<vmem>> -> memref<128xi32, #tpu.memory_space<vmem>>
        %dma_start3A_98 = arith.constant 0 : i32
        %dma_start3A_99 = arith.constant 0 : i32
        %dma_start3A_100 = tpu.memref_slice %arg12[%dma_start3A_98, %dma_start3A_99] : memref<10112x128xf32, #tpu.memory_space<vmem_shared>> -> memref<10112x128xf32, #tpu.memory_space<vmem_shared>>
        tpu.enqueue_indirect_dma source(%arg9 : memref<128x128xf32, #tpu.memory_space<vmem>>) target(%dma_start3A_100 : memref<10112x128xf32, #tpu.memory_space<vmem_shared>>) offsets(%dma_start3A_97 : memref<128xi32, #tpu.memory_space<vmem>>) semaphore(%run_scoped3A : memref<!tpu.dma_semaphore, #tpu.memory_space<semaphore_mem>>) {add = true}
        %dma_wait3A_101 = arith.constant 0 : i32
        %dma_wait3A_102 = tpu.memref_slice %arg7[%add3A_94, %dma_wait3A_101] : memref<40x128xi32, #tpu.memory_space<vmem>> -> memref<1x128xi32, #tpu.memory_space<vmem>>
        %dma_wait3A_103 = tpu.memref_squeeze %dma_wait3A_102 : memref<1x128xi32, #tpu.memory_space<vmem>> -> memref<128xi32, #tpu.memory_space<vmem>>
        %dma_wait3A_104 = arith.constant 0 : i32
        %dma_wait3A_105 = arith.constant 0 : i32
        %dma_wait3A_106 = tpu.memref_slice %arg12[%dma_wait3A_104, %dma_wait3A_105] : memref<10112x128xf32, #tpu.memory_space<vmem_shared>> -> memref<10112x128xf32, #tpu.memory_space<vmem_shared>>
        tpu.wait_indirect_dma semaphore(%run_scoped3A : memref<!tpu.dma_semaphore, #tpu.memory_space<semaphore_mem>>) src(%arg9 : memref<128x128xf32, #tpu.memory_space<vmem>>) dst(%dma_wait3A_106 : memref<10112x128xf32, #tpu.memory_space<vmem_shared>>)
        tpu.yield
      }) : () -> ()
    }
    %scan3A_55 = arith.constant 20 : i32
    %barrier3A_56 = arith.constant 0 : index
    tpu.barrier barrier_id(%barrier3A_56)
    %mul3A_57 = arith.constant 624 : i32
    %mul3A_58 = arith.muli %arg1, %mul3A_57 : i32
    "tpu.region"() ({
      %run_scoped3A = tpu.sem_alloc : memref<!tpu.dma_semaphore, #tpu.memory_space<semaphore_mem>>
      %dma_start3A_61 = arith.constant 0 : i32
      %dma_start3A_62 = arith.constant 0 : i32
      %dma_start3A_63 = tpu.memref_slice %arg5[%arg0, %dma_start3A_61, %dma_start3A_62] : memref<2x10000x128xf32, #tpu.memory_space<hbm>> -> memref<1x10000x128xf32, #tpu.memory_space<hbm>>
      %dma_start3A_64 = tpu.memref_squeeze %dma_start3A_63 : memref<1x10000x128xf32, #tpu.memory_space<hbm>> -> memref<10000x128xf32, #tpu.memory_space<hbm>>
      %dma_start3A_65 = arith.constant 0 : i32
      %dma_start3A_66 = tpu.memref_slice %dma_start3A_64[%mul3A_58, %dma_start3A_65] : memref<10000x128xf32, #tpu.memory_space<hbm>> -> memref<624x128xf32, #tpu.memory_space<hbm>>
      %dma_start3A_67 = arith.constant 0 : i32
      %dma_start3A_68 = tpu.memref_slice %arg12[%mul3A_58, %dma_start3A_67] : memref<10112x128xf32, #tpu.memory_space<vmem_shared>> -> memref<624x128xf32, #tpu.memory_space<vmem_shared>>
      tpu.enqueue_dma source(%dma_start3A_68 : memref<624x128xf32, #tpu.memory_space<vmem_shared>>) target(%dma_start3A_66 : memref<624x128xf32, #tpu.memory_space<hbm>>) target_semaphore(%run_scoped3A : memref<!tpu.dma_semaphore, #tpu.memory_space<semaphore_mem>>)
      %dma_wait3A = arith.constant 0 : i32
      %dma_wait3A_69 = arith.constant 0 : i32
      %dma_wait3A_70 = tpu.memref_slice %arg5[%arg0, %dma_wait3A, %dma_wait3A_69] : memref<2x10000x128xf32, #tpu.memory_space<hbm>> -> memref<1x10000x128xf32, #tpu.memory_space<hbm>>
      %dma_wait3A_71 = tpu.memref_squeeze %dma_wait3A_70 : memref<1x10000x128xf32, #tpu.memory_space<hbm>> -> memref<10000x128xf32, #tpu.memory_space<hbm>>
      %dma_wait3A_72 = arith.constant 0 : i32
      %dma_wait3A_73 = tpu.memref_slice %dma_wait3A_71[%mul3A_58, %dma_wait3A_72] : memref<10000x128xf32, #tpu.memory_space<hbm>> -> memref<624x128xf32, #tpu.memory_space<hbm>>
      %dma_wait3A_74 = arith.constant 0 : i32
      %dma_wait3A_75 = tpu.memref_slice %arg12[%mul3A_58, %dma_wait3A_74] : memref<10112x128xf32, #tpu.memory_space<vmem_shared>> -> memref<624x128xf32, #tpu.memory_space<vmem_shared>>
      tpu.wait_dma2 semaphore(%run_scoped3A : memref<!tpu.dma_semaphore, #tpu.memory_space<semaphore_mem>>) src(%dma_wait3A_75 : memref<624x128xf32, #tpu.memory_space<vmem_shared>>) dst(%dma_wait3A_73 : memref<624x128xf32, #tpu.memory_space<hbm>>)
      tpu.yield
    }) : () -> ()
    %eq3A = arith.constant 15 : i32
    %eq3A_59 = arith.cmpi eq, %arg1, %eq3A : i32
    %convert_element_type3A = arith.extui %eq3A_59 : i1 to i32
    %cond3A = arith.constant 0 : i32
    %cond3A_60 = arith.cmpi ne, %convert_element_type3A, %cond3A : i32
    scf.if %cond3A_60 {
      "tpu.region"() ({
        %run_scoped3A = tpu.sem_alloc : memref<!tpu.dma_semaphore, #tpu.memory_space<semaphore_mem>>
        %dma_start3A_61 = arith.constant 0 : i32
        %dma_start3A_62 = arith.constant 0 : i32
        %dma_start3A_63 = tpu.memref_slice %arg5[%arg0, %dma_start3A_61, %dma_start3A_62] : memref<2x10000x128xf32, #tpu.memory_space<hbm>> -> memref<1x10000x128xf32, #tpu.memory_space<hbm>>
        %dma_start3A_64 = tpu.memref_squeeze %dma_start3A_63 : memref<1x10000x128xf32, #tpu.memory_space<hbm>> -> memref<10000x128xf32, #tpu.memory_space<hbm>>
        %dma_start3A_65 = arith.constant 9984 : i32
        %dma_start3A_66 = arith.constant 0 : i32
        %dma_start3A_67 = tpu.memref_slice %dma_start3A_64[%dma_start3A_65, %dma_start3A_66] : memref<10000x128xf32, #tpu.memory_space<hbm>> -> memref<16x128xf32, #tpu.memory_space<hbm>>
        %dma_start3A_68 = arith.constant 9984 : i32
        %dma_start3A_69 = arith.constant 0 : i32
        %dma_start3A_70 = tpu.memref_slice %arg12[%dma_start3A_68, %dma_start3A_69] : memref<10112x128xf32, #tpu.memory_space<vmem_shared>> -> memref<16x128xf32, #tpu.memory_space<vmem_shared>>
        tpu.enqueue_dma source(%dma_start3A_70 : memref<16x128xf32, #tpu.memory_space<vmem_shared>>) target(%dma_start3A_67 : memref<16x128xf32, #tpu.memory_space<hbm>>) target_semaphore(%run_scoped3A : memref<!tpu.dma_semaphore, #tpu.memory_space<semaphore_mem>>)
        %dma_wait3A = arith.constant 0 : i32
        %dma_wait3A_71 = arith.constant 0 : i32
        %dma_wait3A_72 = tpu.memref_slice %arg5[%arg0, %dma_wait3A, %dma_wait3A_71] : memref<2x10000x128xf32, #tpu.memory_space<hbm>> -> memref<1x10000x128xf32, #tpu.memory_space<hbm>>
        %dma_wait3A_73 = tpu.memref_squeeze %dma_wait3A_72 : memref<1x10000x128xf32, #tpu.memory_space<hbm>> -> memref<10000x128xf32, #tpu.memory_space<hbm>>
        %dma_wait3A_74 = arith.constant 9984 : i32
        %dma_wait3A_75 = arith.constant 0 : i32
        %dma_wait3A_76 = tpu.memref_slice %dma_wait3A_73[%dma_wait3A_74, %dma_wait3A_75] : memref<10000x128xf32, #tpu.memory_space<hbm>> -> memref<16x128xf32, #tpu.memory_space<hbm>>
        %dma_wait3A_77 = arith.constant 9984 : i32
        %dma_wait3A_78 = arith.constant 0 : i32
        %dma_wait3A_79 = tpu.memref_slice %arg12[%dma_wait3A_77, %dma_wait3A_78] : memref<10112x128xf32, #tpu.memory_space<vmem_shared>> -> memref<16x128xf32, #tpu.memory_space<vmem_shared>>
        tpu.wait_dma2 semaphore(%run_scoped3A : memref<!tpu.dma_semaphore, #tpu.memory_space<semaphore_mem>>) src(%dma_wait3A_79 : memref<16x128xf32, #tpu.memory_space<vmem_shared>>) dst(%dma_wait3A_76 : memref<16x128xf32, #tpu.memory_space<hbm>>)
        tpu.yield
      }) : () -> ()
    } else {
    }
    return
  }
}

module attributes {stable_mosaic.version = 14 : i64} {
  func.func @_tc_body(%arg0: i32, %arg1: memref<1000x128xf32, #tpu.memory_space<vmem>>, %arg2: memref<1000x128xf32, #tpu.memory_space<vmem>>, %arg3: memref<1000x128xf32, #tpu.memory_space<vmem>>, %arg4: memref<1000x32xf32, #tpu.memory_space<vmem>>, %arg5: memref<128x128xf32, #tpu.memory_space<vmem>>, %arg6: memref<128x128xf32, #tpu.memory_space<vmem>>, %arg7: memref<1x128xf32, #tpu.memory_space<vmem>>, %arg8: memref<1000x128xf32, #tpu.memory_space<vmem>>) attributes {dimension_semantics = [#tpu.dimension_semantics<arbitrary>], iteration_bounds = array<i64: 10>, scalar_prefetch = 0 : i64, scratch_operands = 0 : i64, tpu.core_type = #tpu.core_type<tc>, window_params = [{transform_indices = @transform_0, window_bounds = array<i64: 1000, 128>}, {transform_indices = @transform_1, window_bounds = array<i64: 1000, 128>}, {transform_indices = @transform_2, window_bounds = array<i64: 1000, 128>}, {transform_indices = @transform_3, window_bounds = array<i64: 1000, 32>}, {pipeline_mode = #tpu.pipeline_mode<synchronous>, transform_indices = @transform_4, window_bounds = array<i64: 128, 128>}, {pipeline_mode = #tpu.pipeline_mode<synchronous>, transform_indices = @transform_5, window_bounds = array<i64: 128, 128>}, {pipeline_mode = #tpu.pipeline_mode<synchronous>, transform_indices = @transform_6, window_bounds = array<i64: 1, 128>}, {transform_indices = @transform_7, window_bounds = array<i64: 1000, 128>}]} {
    %get3A = arith.constant 0 : index
    %get3A_0 = arith.constant 0 : index
    %get3A_1 = vector.load %arg2[%get3A, %get3A_0] : memref<1000x128xf32, #tpu.memory_space<vmem>>, vector<1000x128xf32>
    %get3A_2 = arith.constant 0 : index
    %get3A_3 = arith.constant 0 : index
    %get3A_4 = vector.load %arg3[%get3A_2, %get3A_3] : memref<1000x128xf32, #tpu.memory_space<vmem>>, vector<1000x128xf32>
    %add3A = arith.addf %get3A_1, %get3A_4 : vector<1000x128xf32>
    %get3A_5 = arith.constant 0 : index
    %get3A_6 = arith.constant 0 : index
    %get3A_7 = vector.load %arg4[%get3A_5, %get3A_6] : memref<1000x32xf32, #tpu.memory_space<vmem>>, vector<1000x32xf32>
    %reduce_sum3A = arith.constant dense<0.000000e+00> : vector<1000xf32>
    %reduce_sum3A_8 = vector.multi_reduction <add>, %get3A_7, %reduce_sum3A [1] : vector<1000x32xf32> to vector<1000xf32>
    %broadcast_in_dim3A = vector.shape_cast %reduce_sum3A_8 : vector<1000xf32> to vector<1000x1xf32>
    %max3A = arith.constant 1.000000e+00 : f32
    %max3A_9 = vector.broadcast %max3A : f32 to vector<1000x1xf32>
    %max3A_10 = arith.maximumf %broadcast_in_dim3A, %max3A_9 : vector<1000x1xf32>
    %div3A = vector.broadcast %max3A_10 : vector<1000x1xf32> to vector<1000x128xf32>
    %div3A_11 = arith.divf %add3A, %div3A : vector<1000x128xf32>
    %get3A_12 = arith.constant 0 : index
    %get3A_13 = arith.constant 0 : index
    %get3A_14 = vector.load %arg1[%get3A_12, %get3A_13] : memref<1000x128xf32, #tpu.memory_space<vmem>>, vector<1000x128xf32>
    %get3A_15 = arith.constant 0 : index
    %get3A_16 = arith.constant 0 : index
    %get3A_17 = vector.load %arg5[%get3A_15, %get3A_16] : memref<128x128xf32, #tpu.memory_space<vmem>>, vector<128x128xf32>
    %dot_general3A = arith.constant dense<0.000000e+00> : vector<1000x128xf32>
    %dot_general3A_18 = tpu.matmul %get3A_14, %get3A_17, %dot_general3A {dimension_numbers = #tpu.dot_dimension_numbers<[1], [0], [0], [1], [0, 0, 1, 1], [], []>, precision = #tpu.contract_precision<fp32>, transpose_lhs_hint = false} : vector<1000x128xf32>, vector<128x128xf32>, vector<1000x128xf32> -> vector<1000x128xf32>
    %get3A_19 = arith.constant 0 : index
    %get3A_20 = arith.constant 0 : index
    %get3A_21 = vector.load %arg6[%get3A_19, %get3A_20] : memref<128x128xf32, #tpu.memory_space<vmem>>, vector<128x128xf32>
    %dot_general3A_22 = arith.constant dense<0.000000e+00> : vector<1000x128xf32>
    %dot_general3A_23 = tpu.matmul %div3A_11, %get3A_21, %dot_general3A_22 {dimension_numbers = #tpu.dot_dimension_numbers<[1], [0], [0], [1], [0, 0, 1, 1], [], []>, precision = #tpu.contract_precision<fp32>, transpose_lhs_hint = false} : vector<1000x128xf32>, vector<128x128xf32>, vector<1000x128xf32> -> vector<1000x128xf32>
    %add3A_24 = arith.addf %dot_general3A_18, %dot_general3A_23 : vector<1000x128xf32>
    %get3A_25 = arith.constant 0 : index
    %get3A_26 = arith.constant 0 : index
    %get3A_27 = vector.load %arg7[%get3A_25, %get3A_26] : memref<1x128xf32, #tpu.memory_space<vmem>>, vector<1x128xf32>
    %add3A_28 = vector.broadcast %get3A_27 : vector<1x128xf32> to vector<1000x128xf32>
    %add3A_29 = arith.addf %add3A_24, %add3A_28 : vector<1000x128xf32>
    %max3A_30 = arith.constant 0.000000e+00 : f32
    %max3A_31 = vector.broadcast %max3A_30 : f32 to vector<1000x128xf32>
    %max3A_32 = arith.maximumf %add3A_29, %max3A_31 : vector<1000x128xf32>
    %swap3A = arith.constant 0 : index
    %swap3A_33 = arith.constant 0 : index
    %swap3A_34 = vector.load %arg8[%swap3A, %swap3A_33] : memref<1000x128xf32, #tpu.memory_space<vmem>>, vector<1000x128xf32>
    tpu.vector_store %arg8[%swap3A, %swap3A_33], %max3A_32 {strides = array<i32>} : memref<1000x128xf32, #tpu.memory_space<vmem>>, vector<1000x128xf32>,
    return
  }
  func.func @transform_0(%arg0: i32) -> (i32, i32) {
    %c0_i32 = arith.constant 0 : i32
    %c0_i32_0 = arith.constant 0 : i32
    return %arg0, %c0_i32 : i32, i32
  }
  func.func @transform_1(%arg0: i32) -> (i32, i32) {
    %c0_i32 = arith.constant 0 : i32
    %c0_i32_0 = arith.constant 0 : i32
    return %arg0, %c0_i32 : i32, i32
  }
  func.func @transform_2(%arg0: i32) -> (i32, i32) {
    %c0_i32 = arith.constant 0 : i32
    %c0_i32_0 = arith.constant 0 : i32
    return %arg0, %c0_i32 : i32, i32
  }
  func.func @transform_3(%arg0: i32) -> (i32, i32) {
    %c0_i32 = arith.constant 0 : i32
    %c0_i32_0 = arith.constant 0 : i32
    return %arg0, %c0_i32 : i32, i32
  }
  func.func @transform_4(%arg0: i32) -> (i32, i32) {
    %c0_i32 = arith.constant 0 : i32
    %c0_i32_0 = arith.constant 0 : i32
    %c0_i32_1 = arith.constant 0 : i32
    return %c0_i32, %c0_i32_0 : i32, i32
  }
  func.func @transform_5(%arg0: i32) -> (i32, i32) {
    %c0_i32 = arith.constant 0 : i32
    %c0_i32_0 = arith.constant 0 : i32
    %c0_i32_1 = arith.constant 0 : i32
    return %c0_i32, %c0_i32_0 : i32, i32
  }
  func.func @transform_6(%arg0: i32) -> (i32, i32) {
    %c0_i32 = arith.constant 0 : i32
    %c0_i32_0 = arith.constant 0 : i32
    %c0_i32_1 = arith.constant 0 : i32
    return %c0_i32, %c0_i32_0 : i32, i32
  }
  func.func @transform_7(%arg0: i32) -> (i32, i32) {
    %c0_i32 = arith.constant 0 : i32
    %c0_i32_0 = arith.constant 0 : i32
    return %arg0, %c0_i32 : i32, i32
  }
}

module attributes {stable_mosaic.version = 14 : i64} {
  func.func @_tc_body(%arg0: i32, %arg1: memref<1000x128xf32, #tpu.memory_space<vmem>>, %arg2: memref<1000x128xf32, #tpu.memory_space<vmem>>, %arg3: memref<1000x128xf32, #tpu.memory_space<vmem>>, %arg4: memref<1000x32xf32, #tpu.memory_space<vmem>>, %arg5: memref<128x128xf32, #tpu.memory_space<vmem>>, %arg6: memref<128x128xf32, #tpu.memory_space<vmem>>, %arg7: memref<1x128xf32, #tpu.memory_space<vmem>>, %arg8: memref<1000x128xf32, #tpu.memory_space<vmem>>) attributes {dimension_semantics = [#tpu.dimension_semantics<arbitrary>], iteration_bounds = array<i64: 10>, scalar_prefetch = 0 : i64, scratch_operands = 0 : i64, tpu.core_type = #tpu.core_type<tc>, window_params = [{transform_indices = @transform_0, window_bounds = array<i64: 1000, 128>}, {transform_indices = @transform_1, window_bounds = array<i64: 1000, 128>}, {transform_indices = @transform_2, window_bounds = array<i64: 1000, 128>}, {transform_indices = @transform_3, window_bounds = array<i64: 1000, 32>}, {pipeline_mode = #tpu.pipeline_mode<synchronous>, transform_indices = @transform_4, window_bounds = array<i64: 128, 128>}, {pipeline_mode = #tpu.pipeline_mode<synchronous>, transform_indices = @transform_5, window_bounds = array<i64: 128, 128>}, {pipeline_mode = #tpu.pipeline_mode<synchronous>, transform_indices = @transform_6, window_bounds = array<i64: 1, 128>}, {transform_indices = @transform_7, window_bounds = array<i64: 1000, 128>}]} {
    %get3A = arith.constant 0 : index
    %get3A_0 = arith.constant 0 : index
    %get3A_1 = vector.load %arg2[%get3A, %get3A_0] : memref<1000x128xf32, #tpu.memory_space<vmem>>, vector<1000x128xf32>
    %get3A_2 = arith.constant 0 : index
    %get3A_3 = arith.constant 0 : index
    %get3A_4 = vector.load %arg3[%get3A_2, %get3A_3] : memref<1000x128xf32, #tpu.memory_space<vmem>>, vector<1000x128xf32>
    %add3A = arith.addf %get3A_1, %get3A_4 : vector<1000x128xf32>
    %get3A_5 = arith.constant 0 : index
    %get3A_6 = arith.constant 0 : index
    %get3A_7 = vector.load %arg4[%get3A_5, %get3A_6] : memref<1000x32xf32, #tpu.memory_space<vmem>>, vector<1000x32xf32>
    %reduce_sum3A = arith.constant dense<0.000000e+00> : vector<1000xf32>
    %reduce_sum3A_8 = vector.multi_reduction <add>, %get3A_7, %reduce_sum3A [1] : vector<1000x32xf32> to vector<1000xf32>
    %broadcast_in_dim3A = vector.shape_cast %reduce_sum3A_8 : vector<1000xf32> to vector<1000x1xf32>
    %max3A = arith.constant 1.000000e+00 : f32
    %max3A_9 = vector.broadcast %max3A : f32 to vector<1000x1xf32>
    %max3A_10 = arith.maximumf %broadcast_in_dim3A, %max3A_9 : vector<1000x1xf32>
    %div3A = vector.broadcast %max3A_10 : vector<1000x1xf32> to vector<1000x128xf32>
    %div3A_11 = arith.divf %add3A, %div3A : vector<1000x128xf32>
    %get3A_12 = arith.constant 0 : index
    %get3A_13 = arith.constant 0 : index
    %get3A_14 = vector.load %arg1[%get3A_12, %get3A_13] : memref<1000x128xf32, #tpu.memory_space<vmem>>, vector<1000x128xf32>
    %get3A_15 = arith.constant 0 : index
    %get3A_16 = arith.constant 0 : index
    %get3A_17 = vector.load %arg5[%get3A_15, %get3A_16] : memref<128x128xf32, #tpu.memory_space<vmem>>, vector<128x128xf32>
    %dot_general3A = arith.constant dense<0.000000e+00> : vector<1000x128xf32>
    %dot_general3A_18 = tpu.matmul %get3A_14, %get3A_17, %dot_general3A {dimension_numbers = #tpu.dot_dimension_numbers<[1], [0], [0], [1], [0, 0, 1, 1], [], []>, precision = #tpu.contract_precision<fp32>, transpose_lhs_hint = false} : vector<1000x128xf32>, vector<128x128xf32>, vector<1000x128xf32> -> vector<1000x128xf32>
    %get3A_19 = arith.constant 0 : index
    %get3A_20 = arith.constant 0 : index
    %get3A_21 = vector.load %arg6[%get3A_19, %get3A_20] : memref<128x128xf32, #tpu.memory_space<vmem>>, vector<128x128xf32>
    %dot_general3A_22 = arith.constant dense<0.000000e+00> : vector<1000x128xf32>
    %dot_general3A_23 = tpu.matmul %div3A_11, %get3A_21, %dot_general3A_22 {dimension_numbers = #tpu.dot_dimension_numbers<[1], [0], [0], [1], [0, 0, 1, 1], [], []>, precision = #tpu.contract_precision<fp32>, transpose_lhs_hint = false} : vector<1000x128xf32>, vector<128x128xf32>, vector<1000x128xf32> -> vector<1000x128xf32>
    %add3A_24 = arith.addf %dot_general3A_18, %dot_general3A_23 : vector<1000x128xf32>
    %get3A_25 = arith.constant 0 : index
    %get3A_26 = arith.constant 0 : index
    %get3A_27 = vector.load %arg7[%get3A_25, %get3A_26] : memref<1x128xf32, #tpu.memory_space<vmem>>, vector<1x128xf32>
    %add3A_28 = vector.broadcast %get3A_27 : vector<1x128xf32> to vector<1000x128xf32>
    %add3A_29 = arith.addf %add3A_24, %add3A_28 : vector<1000x128xf32>
    %max3A_30 = arith.constant 0.000000e+00 : f32
    %max3A_31 = vector.broadcast %max3A_30 : f32 to vector<1000x128xf32>
    %max3A_32 = arith.maximumf %add3A_29, %max3A_31 : vector<1000x128xf32>
    %swap3A = arith.constant 0 : index
    %swap3A_33 = arith.constant 0 : index
    %swap3A_34 = vector.load %arg8[%swap3A, %swap3A_33] : memref<1000x128xf32, #tpu.memory_space<vmem>>, vector<1000x128xf32>
    tpu.vector_store %arg8[%swap3A, %swap3A_33], %max3A_32 {strides = array<i32>} : memref<1000x128xf32, #tpu.memory_space<vmem>>, vector<1000x128xf32>,
    return
  }
  func.func @transform_0(%arg0: i32) -> (i32, i32) {
    %c0_i32 = arith.constant 0 : i32
    %c0_i32_0 = arith.constant 0 : i32
    return %arg0, %c0_i32 : i32, i32
  }
  func.func @transform_1(%arg0: i32) -> (i32, i32) {
    %c0_i32 = arith.constant 0 : i32
    %c0_i32_0 = arith.constant 0 : i32
    return %arg0, %c0_i32 : i32, i32
  }
  func.func @transform_2(%arg0: i32) -> (i32, i32) {
    %c0_i32 = arith.constant 0 : i32
    %c0_i32_0 = arith.constant 0 : i32
    return %arg0, %c0_i32 : i32, i32
  }
  func.func @transform_3(%arg0: i32) -> (i32, i32) {
    %c0_i32 = arith.constant 0 : i32
    %c0_i32_0 = arith.constant 0 : i32
    return %arg0, %c0_i32 : i32, i32
  }
  func.func @transform_4(%arg0: i32) -> (i32, i32) {
    %c0_i32 = arith.constant 0 : i32
    %c0_i32_0 = arith.constant 0 : i32
    %c0_i32_1 = arith.constant 0 : i32
    return %c0_i32, %c0_i32_0 : i32, i32
  }
  func.func @transform_5(%arg0: i32) -> (i32, i32) {
    %c0_i32 = arith.constant 0 : i32
    %c0_i32_0 = arith.constant 0 : i32
    %c0_i32_1 = arith.constant 0 : i32
    return %c0_i32, %c0_i32_0 : i32, i32
  }
  func.func @transform_6(%arg0: i32) -> (i32, i32) {
    %c0_i32 = arith.constant 0 : i32
    %c0_i32_0 = arith.constant 0 : i32
    %c0_i32_1 = arith.constant 0 : i32
    return %c0_i32, %c0_i32_0 : i32, i32
  }
  func.func @transform_7(%arg0: i32) -> (i32, i32) {
    %c0_i32 = arith.constant 0 : i32
    %c0_i32_0 = arith.constant 0 : i32
    return %arg0, %c0_i32 : i32, i32
  }
}

</mosaic_0001>

<sc_bundles>
// kernel: kernel.10.cloned.1.call-start
scs
__scs_entry_jumppad:
0x0: {  	(pc) =	sbr.rel $0x88, $3  }
0x1: {  	(tag) =	ssettag $0x0;
	lr =	simm.s32 $0x1  }
0x2: {  	[smem:$0x3F99] =	sst lr;
	_ =	strace $0xD0000000  }
0x3: {  	_ = 	snop  }
0x4: {  	_ = 	snop  }
0x5: {  	_ = 	snop  }
0x6: {  	_ = 	snop  }
0x7: {  	_ = 	snop  }
__scs_overlays_trampoline_lowered:
0x8: {  	[smem:$0x3FA8] =	sst s0  }
0x9: {  	[smem:$0x3FA9] =	sst s1  }
0xa: {  	[smem:$0x3FAA] =	sst s2  }
0xb: {  	[smem:$0x3FAB] =	sst s3  }
0xc: {  	[smem:$0x3FAC] =	sst s4  }
0xd: {  	[smem:$0x3FAD] =	sst s5  }
0xe: {  	[smem:$0x3FAE] =	sst s6  }
0xf: {  	[smem:$0x3FAF] =	sst s7  }
0x10: {  	[smem:$0x3FB0] =	sst s8  }
0x11: {  	[smem:$0x3FB1] =	sst s9;
	s0 =	simm.s32 @!p0 $0x0  }
0x12: {  	s1 =	sld [smem:$0x3F97];
	s0 =	simm.s32 @p0 $0x1  }
0x13: {  	[smem:$0x3FB2] =	sst s0;
	s0 =	simm.s32 @!p1 $0x0  }
0x14: {  	s2 =	sld [smem:$0x3F96];
	s0 =	simm.s32 @p1 $0x1  }
0x15: {  	[smem:$0x3FB3] =	sst s0;
	s0 =	simm.s32 @!p2 $0x0  }
0x16: {  	s3 =	sld [smem:$0x3FDB];
	s0 =	simm.s32 @p2 $0x1  }
0x17: {  	s4 =	simm.s32 $0x1BF5;
	[smem:$0x3FB5] =	sst s0  }
0x18: {  	s0 =	sld [smem:$0x3F98];
	_ =	swait.ge [sflag:s4], $0x0  }
0x19: {  	s7 =	sld [smem:$0x3F99]  }
0x1a: {  	s8 =	sadd.s32 $0xFFFFE003, lr  }
0x1b: {  	s9 =	sadd.s32 $0xFFFFFEF7, lr;
	s5 =	simm.s32 $0xFFFFFFFF;
	p2 =	slt.u32 s8, $0xFFFFF086  }
0x1c: {  	p1 =	slt.u32 s9, $0xF7A;
	s5 =	simm.s32 @!p2 $0x0  }
0x1d: {  	s5 =	simm.s32 @p1 $0x1;
	p0 =	seq.s32 s7, s2  }
0x1e: {  	s7 =	smul.u32 @!p0 $0xF7A, s2;
	p2 =	seq.s32 @!p0 s5, $0x0  }
0x1f: {  	s9 =	smul.u32 $0xF7A, s1;
	s8 =	simm.s32 @!p0 $0x1BF5;
	p2 =	por !p2, p0  }
0x20: {  	[sflag:s8] =	ssyncset.s32 @!p0 $0xFFFFF086;
	s6 =	sadd.s32 @!p0 s3, s7;
	s7 =	simm.s32 @!p0 $0x108  }
0x21: {  	s3 =	sadd.s32 s3, s9;
	s6 =	sadd.s32 @!p0 $0x88, s6;
	s7 =	simm.s32 @p2 $0x1082  }
0x22: {  	[simem:s7], [sflag:s8] =	dma.local @!p0 [hbm:s6], $0xF7A  }
0x23: {  	s9 =	sor.u32 $0xD0000000, s2;
	s6 =	simm.s32 $0x108;
	_ =	swait.ge @!p0 [sflag:s8], $0x0  }
0x24: {  	s3 =	sadd.s32 $0x88, s3;
	s6 =	simm.s32 @!p1 $0x1082;
	[sflag:s4] =	ssyncset.s32 $0xFFFFF086  }
0x25: {  	[simem:s6], [sflag:s4] =	dma.local [hbm:s3], $0xF7A  }
0x26: {  	[smem:$0x3F99] =	sst s1;
	(tag) =	ssettag s2;
	_ =	strace s9  }
0x27: {  	s1 =	sld [smem:$0x3FA9]  }
0x28: {  	s2 =	sld [smem:$0x3FAA]  }
0x29: {  	s4 =	sld [smem:$0x3FAC]  }
0x2a: {  	p0 =	seq.s32 s5, $0x0;
	s5 =	sld [smem:$0x3FAD]  }
0x2b: {  	s6 =	sld [smem:$0x3FAE]  }
0x2c: {  	s7 =	sld [smem:$0x3FAF]  }
0x2d: {  	s3 =	simm.s32 $0x108;
	s8 =	sld [smem:$0x3FB0]  }
0x2e: {  	s3 =	simm.s32 @!p0 $0x1082;
	s9 =	sld [smem:$0x3FB1]  }
0x2f: {  	lr =	sadd.s32 s0, s3;
	s0 =	sld [smem:$0x3FA8]  }
0x30: {  	s3 =	sld [smem:$0x3FAB]  }
0x31: {  	[smem:$0x3FB4] =	sst s10  }
0x32: {  	s10 =	sld [smem:$0x3FB2];
	_ =	sdelay $0x3  }
0x33: {  	p0 =	seq.s32 s10, $0x1;
	s10 =	sld [smem:$0x3FB4];
	_ =	sdelay $0x3  }
0x34: {  	[smem:$0x3FB4] =	sst s10  }
0x35: {  	s10 =	sld [smem:$0x3FB3];
	_ =	sdelay $0x3  }
0x36: {  	p1 =	seq.s32 s10, $0x1;
	s10 =	sld [smem:$0x3FB4];
	_ =	sdelay $0x3  }
0x37: {  	[smem:$0x3FB4] =	sst s10  }
0x38: {  	s10 =	sld [smem:$0x3FB5]  }
0x39: {  	_ = 	snop;
	(pc) =	sbr.ind lr, $3  }
0x3a: {  	_ = 	snop  }
0x3b: {  	_ = 	snop  }
0x3c: {  	p2 =	seq.s32 s10, $0x1;
	s10 =	sld [smem:$0x3FB4]  }
0x3d: {  	_ =	shalt  }
0x3e: {  	_ =	shalt  }
0x3f: {  	_ =	shalt  }
0x40: {  	_ =	shalt  }
0x41: {  	_ =	shalt  }
0x42: {  	_ =	shalt  }
0x43: {  	_ =	shalt  }
0x44: {  	_ =	shalt  }
0x45: {  	_ =	shalt  }
0x46: {  	_ =	shalt  }
0x47: {  	_ =	shalt  }
0x48: {  	_ =	shalt  }
0x49: {  	_ =	shalt  }
0x4a: {  	_ =	shalt  }
0x4b: {  	_ =	shalt  }
0x4c: {  	_ =	shalt  }
0x4d: {  	_ =	shalt  }
0x4e: {  	_ =	shalt  }
0x4f: {  	_ =	shalt  }
0x50: {  	_ =	shalt  }
0x51: {  	_ =	shalt  }
0x52: {  	_ =	shalt  }
0x53: {  	_ =	shalt  }
0x54: {  	_ =	shalt  }
0x55: {  	_ =	shalt  }
0x56: {  	_ =	shalt  }
0x57: {  	_ =	shalt  }
0x58: {  	_ =	shalt  }
0x59: {  	_ =	shalt  }
0x5a: {  	_ =	shalt  }
0x5b: {  	_ =	shalt  }
0x5c: {  	_ =	shalt  }
0x5d: {  	_ =	shalt  }
0x5e: {  	_ =	shalt  }
0x5f: {  	_ =	shalt  }
0x60: {  	_ =	shalt  }
0x61: {  	_ =	shalt  }
0x62: {  	_ =	shalt  }
0x63: {  	_ =	shalt  }
0x64: {  	_ =	shalt  }
0x65: {  	_ =	shalt  }
0x66: {  	_ =	shalt  }
0x67: {  	_ =	shalt  }
0x68: {  	_ =	shalt  }
0x69: {  	_ =	shalt  }
0x6a: {  	_ =	shalt  }
0x6b: {  	_ =	shalt  }
0x6c: {  	_ =	shalt  }
0x6d: {  	_ =	shalt  }
0x6e: {  	_ =	shalt  }
0x6f: {  	_ =	shalt  }
0x70: {  	_ =	shalt  }
0x71: {  	_ =	shalt  }
0x72: {  	_ =	shalt  }
0x73: {  	_ =	shalt  }
0x74: {  	_ =	shalt  }
0x75: {  	_ =	shalt  }
0x76: {  	_ =	shalt  }
0x77: {  	_ =	shalt  }
0x78: {  	_ =	shalt  }
0x79: {  	_ =	shalt  }
0x7a: {  	_ =	shalt  }
0x7b: {  	_ =	shalt  }
0x7c: {  	_ =	shalt  }
0x7d: {  	_ =	shalt  }
0x7e: {  	_ =	shalt  }
0x7f: {  	_ =	shalt  }
0x80: {  	_ =	shalt  }
0x81: {  	_ =	shalt  }
0x82: {  	_ =	shalt  }
0x83: {  	_ =	shalt  }
0x84: {  	_ =	shalt  }
0x85: {  	_ =	shalt  }
0x86: {  	_ =	shalt  }
0x87: {  	_ =	shalt  }
.Lfunc_end0:
.L_simem_size_0:
called_computation.1_lowered:
.L_overlay_start_0:
0x88: {  	s2 =	sld [smem:$0x3FD9]  }
0x89: {  	s3 =	sld [smem:$0x3FFE];
	_ =	sdelay $0x1  }
0x8a: {  	s1 =	srdreg.scid  }
0x8b: {  	s0 =	sand.u32 $0x1, s1  }
0x8c: {  	s17 =	sshll.u32 s0, $0xA;
	s2 =	sadd.s32 s3, s2  }
0x8d: {  	s2 =	sadd.s32 s2, s17  }
0x8e: {  	[smem:$0x3FC0] =	sst s2  }
0x8f: {  	_ = 	snop  }
0x90: {  	s18 =	sld [smem:$0x3FC9];
	(tm) =	ssettm $0x1  }
0x91: {  	s19 =	sld [smem:$0x3FFB];
	_ =	sdelay $0x3  }
0x92: {  	_ =	strace s19  }
0x93: {  	s2 =	sld [smem:$0x3FFC];
	_ =	sdelay $0x3  }
0x94: {  	_ =	strace s2  }
0x95: {  	s2 =	sld [smem:$0x3FFD];
	_ =	sdelay $0x3  }
0x96: {  	_ =	strace s2  }
0x97: {  	_ =	strace $0x8FFFFFFF  }
0x98: {  	s20 =	sld [smem:$0x3FDB];
	_ =	sdelay $0x1  }
0x99: {  	s4 =	simm.s32 $_scs_section_size  }
0x9a: {  	s5 =	simm.s32 $_size__tile_overlayer_lowered;
	s6 =	simm.s32 $_tile_overlayer_lowered  }
0x9b: {  	s7 =	simm.s32 $0x1BFF;
	s21 =	sshll.u32 s6, $0x1;
	s4 =	sadd.s32 s4, s20  }
0x9c: {  	s22 =	simm.s32 $0x0;
	s5 =	sshll.u32 s5, $0x1;
	s6 =	sadd.s32 s21, s4  }
0x9d: {  	[timem:s22], [sflag:s7] =	dma.local [hbm:s6], s5  }
0x9e: {  	_ =	swait.ge [sflag:s7], s5  }
0x9f: {  	s5 =	ssub.s32 $0x0, s5;
	[sflag:s7] =	ssyncset.done $0x0  }
0xa0: {  	[sflag:s7] =	ssyncadd.s32 s5;
	_ =	sdelay $0x1  }
0xa1: {  	s23 =	simm.s32 $0x1B8B  }
0xa2: {  	_ =	swait.ge [sflag:s23], $0x1  }
0xa3: {  	[sflag:s23] =	ssyncset.done $0x0  }
0xa4: {  	[sflag:s23] =	ssyncadd.s32 $0xFFFFFFFF  }
0xa5: {  	s5 =	sld [smem:$0x0]  }
0xa6: {  	s6 =	sand.u32 $0xFFFFFFFE, s1  }
0xa7: {  	p0 =	sne.s32 s1, s6  }
0xa8: {  	s6 =	sshll.u32 @p0 s6, $0xE  }
0xa9: {  	s6 =	sadd.s32 @p0 $0x11B8D, s6;
	s7 =	sshll.u32 @p0 s5, $0x11  }
0xaa: {  	s6 =	sor.u32 @p0 s7, s6  }
0xab: {  	[sflag:s6] =	ssyncadd.remote.s32 @p0 $0x1;
	_ =	sdelay $0x1  }
0xac: {  	s6 =	simm.s32 @p0 $0x1B8D  }
0xad: {  	_ =	swait.eq @p0 [sflag:s6], $0x1  }
0xae: {  	[sflag:s6] =	ssyncadd.s32 @p0 $0xFFFFFFFF  }
0xaf: {  	s7 =	sshll.u32 @!p0 s1, $0xE  }
0xb0: {  	s7 =	sor.u32 @!p0 $0x4000, s7;
	s6 =	simm.s32 @!p0 $0x1B8D  }
0xb1: {  	s5 =	sshll.u32 @!p0 s5, $0x11;
	s7 =	sadd.s32 @!p0 $0x11B8D, s7;
	_ =	swait.eq @!p0 [sflag:s6], $0x1  }
0xb2: {  	s5 =	sor.u32 @!p0 s5, s7;
	[sflag:s6] =	ssyncadd.s32 @!p0 $0xFFFFFFFF  }
0xb3: {  	s25 =	simm.s32 $0x1B8E;
	s24 =	sld [smem:$0x3FFE];
	[sflag:s5] =	ssyncadd.remote.s32 @!p0 $0x1  }
0xb4: {  	s26 =	simm.s32 $execute0_lowered;
	[smem:$0x3FD2] =	sst s25  }
0xb5: {  	s6 =	sshll.u32 s26, $0x1;
	_ =	strace $0x80000049;
	[dreg:$0x1] =	wrdreg $0xFFFFFFFF  }
0xb6: {  	s28 =	simm.s32 $_size_execute0_lowered;
	s4 =	sadd.s32 s4, s6;
	[dreg:$0x0] =	wrdreg $0x0  }
0xb7: {  	s6 =	sshll.u32 s28, $0x1;
	[dreg:$0x2] =	wrdreg s4  }
0xb8: {  	[dreg:$0x3] =	wrdreg s6  }
0xb9: {  	[dreg:$0x4] =	wrdreg $0xC0  }
0xba: {  	_ =	task [dreg:s22], $0x5FFFF  }
0xbb: {  	[dreg:$0x1] =	wrdreg $0xFFFFFFFF  }
0xbc: {  	[dreg:$0x0] =	wrdreg $0x60  }
0xbd: {  	[dreg:$0x2] =	wrdreg s18  }
0xbe: {  	[dreg:$0x3] =	wrdreg s24  }
0xbf: {  	[dreg:$0x4] =	wrdreg $0xA8000  }
0xc0: {  	[dreg:$0x5] =	wrdreg $0xA  }
0xc1: {  	_ =	task.clear_ibuf [dreg:s22], $0x6FFFF;
	_ =	strace $0x90000049  }
0xc2: {  	s29 =	simm.s32 $0xA;
	_ =	strace $0x8000004B  }
0xc3: {  	_ =	swait.ge [sflag:s29], $0x1  }
0xc4: {  	[sflag:s29] =	ssyncadd.s32 $0xFFFFFFFF  }
0xc5: {  	_ =	strace $0x9000004B  }
0xc6: {  	_ =	sfence  }
0xc7: {  	s30 =	sld [smem:$0x0];
	_ =	sdelay $0x2  }
0xc8: {  	s31 =	sshll.u32 s1, $0xD;
	s1 =	sshrl.u32 s1, $0x2  }
0xc9: {  	s4 =	sand.u32 $0x4000, s31;
	s1 =	sadd.s32 s1, s30  }
0xca: {  	s0 =	sor.u32 s4, s0;
	s1 =	sshll.u32 s1, $0x11  }
0xcb: {  	s0 =	sor.u32 s1, s0  }
0xcc: {  	s0 =	sadd.s32 $0x8F2B, s0  }
0xcd: {  	[sflag:s0] =	ssyncadd.remote.s32 $0x1  }
0xce: {  	_ =	sfence.sel $0xFFFF  }
0xcf: {  	[dreg:$0x0] =	wrdreg $0xFFFFFFFF;
	(pc) =	sbr.abs _section_cstart, $3  }
0xd0: {  	[dreg:$0x1] =	wrdreg $0xFFFFFFFF  }
0xd1: {  	_ =	task.clear_ibuf [dreg:s22], $0x2FFFF;
	_ =	strace $0x9FFFFFFF  }
0xd2: {  	(tm) =	ssettm $0x7FFFFFFF  }
0xd3: {  	_ =	shalt  }
tec
execute0_lowered:
.L_overlay_start_1:
0x0: {  	(tag) =	ssettag $0x1  }
0x1: {  	s1 =	rddreg [dreg:$0x0]  }
0x2: {  	s5 =	rddreg [dreg:$0x1]  }
0x3: {  	s2 =	rddreg [dreg:$0x2]  }
0x4: {  	s3 =	simm.s32 $0x0;
	s4 =	srdreg.scid;
	s18 =	simm.s32 $0x1400  }
0x5: {  	s19 =	simm.s32 $0x80;
	s20 =	simm.s32 $0x1;
	s21 =	simm.s32 $0x6800  }
0x6: {  	s22 =	simm.s32 $0x2;
	s28 =	simm.s32 $0x2700;
	s6 =	sand.u32 $0x1, s4  }
0x7: {  	s29 =	simm.s32 $0x2780;
	s4 =	stileid.u32;
	s7 =	smul.u32 $0x27100, s6  }
0x8: {  	[smem:$0x7FF] =	sst s3;
	s12 =	sadd.s32 $0x2A00, s5;
	s8 =	smul.u32 $0x4F000, s4  }
0x9: {  	s13 =	sadd.s32 $0xCA00, s5;
	_ =	strace $0x8000004A;
	s17 =	smul.u32 $0x4E000, s4  }
0xa: {  	s25 =	sshll.u32 s6, $0x4;
	s6 =	ssub.s32 $0x2, s6;
	s23 =	smul.u32 $0x2700, s4  }
0xb: {  	p0 =	sne.s32 s4, $0xF;
	s9 =	sor.u32 s4, s25;
	s30 =	sshrl.u32 s6, $0x1  }
0xc: {  	s25 =	sadd.s32 $0x138000, s2;
	s14 =	sadd.s32 s7, s5;
	s10 =	smul.u32 $0x2800, s9  }
0xd: {  	s26 =	sshrl.u32 s8, $0x2;
	s15 =	ssub.s32 s6, s30;
	s11 =	smul.u32 $0x500, s9  }
0xe: {  	s31 =	sshrl.u32 s17, $0x2;
	s17 =	simm.s32 $0x3;
	s25 =	sshrl.u32 @!p0 s25, $0x3  }
0xf: {  	s5 =	sadd.s32 s26, s2;
	s14 =	sadd.s32 $0x16A00, s14;
	s24 =	sadd.s32 s31, s2  }
0x10: {  	s15 =	smax.u32 s15, $0x1;
	s26 =	simm.s32 $0x1380;
	s6 =	sadd.s32 $0x4000, s5  }
0x11: {  	s7 =	sadd.s32 $0x8000, s5;
	s8 =	sadd.s32 $0xC000, s5;
	s10 =	sshrl.u32 s10, $0x3  }
0x12: {  	s9 =	sadd.s32 $0x10000, s5;
	s23 =	sadd.s32 s23, s14;
	s24 =	sshrl.u32 s24, $0x3  }
0x13: {  	s16 =	sadd.s32 $0x280, s10;
	s10 =	sadd.s32 s12, s11;
	s11 =	sadd.s32 s13, s11  }
0x14: {  	v0 =	vimm.f32 $0.0e+00;
	s12 =	sadd.s32 s12, s16;
	s13 =	sadd.s32 s13, s16;
	s16 =	simm.s32 $0x2800  }
.LBB2_1:
0x15: {  	s30 =	simm.s32 $0x0;
	s31 =	simm.s32 $0x200  }
.LBB2_2:
0x16: {  	p1 =	sne.s32 s31, $0xFE00;
	[tilespmem:s30+$0x2870] =	vst v0  }
0x17: {  	[tilespmem:s30+$0x2800] =	vst v0  }
0x18: {  	[tilespmem:s30+$0x2810] =	vst v0  }
.Ltmp0:
0x19: {  	[tilespmem:s30+$0x2820] =	vst v0;
	(pc) =	sbr.rel @p1 .LBB2_2-.Ltmp0, $4  }
0x1a: {  	[tilespmem:s30+$0x2830] =	vst v0  }
0x1b: {  	[tilespmem:s30+$0x2840] =	vst v0  }
0x1c: {  	[tilespmem:s30+$0x2850] =	vst v0  }
0x1d: {  	[tilespmem:s30+$0x2860] =	vst v0;
	s30 =	sshra.s32 s31, $0x2;
	s31 =	sadd.s32 $0x200, s31  }
0x1e: {  	[tilespmem:s30+$0x2870] =	vst v0  }
0x1f: {  	[tilespmem:s30+$0x2800] =	vst v0  }
0x20: {  	[tilespmem:s30+$0x2810] =	vst v0  }
0x21: {  	[tilespmem:s30+$0x2820] =	vst v0  }
0x22: {  	[tilespmem:s30+$0x2830] =	vst v0  }
0x23: {  	[tilespmem:s30+$0x2840] =	vst v0  }
0x24: {  	[tilespmem:s30+$0x2850] =	vst v0  }
0x25: {  	[tilespmem:s30+$0x2860] =	vst v0  }
0x26: {  	[spmem:s5] =	stream.linear.scatter [tilespmem:s16], [sflag:$0x3], $0x4000, $0x38;
	[tilespmem:$0x1E400] =	vst v63  }
0x27: {  	_ =	swait.ge [sflag:s17], $0x4000  }
0x28: {  	[sflag:s17] =	ssyncset.done $0x0  }
0x29: {  	[sflag:s17] =	ssyncadd.s32 $0xFFFFC000  }
0x2a: {  	[spmem:s6] =	stream.linear.scatter [tilespmem:s16], [sflag:$0x3], $0x4000, $0x38;
	[tilespmem:$0x1E400] =	vst v63  }
0x2b: {  	_ =	swait.ge [sflag:s17], $0x4000  }
0x2c: {  	[sflag:s17] =	ssyncset.done $0x0  }
0x2d: {  	[sflag:s17] =	ssyncadd.s32 $0xFFFFC000  }
0x2e: {  	[spmem:s7] =	stream.linear.scatter [tilespmem:s16], [sflag:$0x3], $0x4000, $0x38;
	[tilespmem:$0x1E400] =	vst v63  }
0x2f: {  	_ =	swait.ge [sflag:s17], $0x4000  }
0x30: {  	[sflag:s17] =	ssyncset.done $0x0  }
0x31: {  	[sflag:s17] =	ssyncadd.s32 $0xFFFFC000  }
0x32: {  	[spmem:s8] =	stream.linear.scatter [tilespmem:s16], [sflag:$0x3], $0x4000, $0x38;
	[tilespmem:$0x1E400] =	vst v63  }
0x33: {  	_ =	swait.ge [sflag:s17], $0x4000  }
0x34: {  	[sflag:s17] =	ssyncset.done $0x0  }
0x35: {  	[sflag:s17] =	ssyncadd.s32 $0xFFFFC000  }
0x36: {  	[spmem:s9] =	stream.linear.scatter [tilespmem:s16], [sflag:$0x3], $0x3C00, $0x38;
	[tilespmem:$0x1E400] =	vst v63  }
0x37: {  	_ =	swait.ge [sflag:s17], $0x3C00  }
0x38: {  	[sflag:s17] =	ssyncset.done $0x0  }
0x39: {  	[sflag:s17] =	ssyncadd.s32 $0xFFFFC400  }
0x3a: {  	s30 =	simm.s32 $0x0;
	[bflag:$0x0] =	sbarrier.arrive $0xFFFF  }
0x3b: {  	[tilespmem:s30], [sflag:$0x3] =	stream.linear.gather [hbm4b:s10+s30], $0x1400, $0x38;
	[tilespmem:$0x1E400] =	vst v63  }
0x3c: {  	_ =	swait.ge [sflag:s17], $0x1400  }
0x3d: {  	[sflag:s17] =	ssyncset.done $0x0  }
0x3e: {  	[sflag:s17] =	ssyncadd.s32 $0xFFFFEC00  }
0x3f: {  	[tilespmem:s18], [sflag:$0x3] =	stream.linear.gather [hbm4b:s11+s30], $0x1400, $0x38;
	[tilespmem:$0x1E400] =	vst v63  }
0x40: {  	_ =	swait.ge [sflag:s17], $0x1400  }
0x41: {  	[sflag:s17] =	ssyncset.done $0x0  }
0x42: {  	[sflag:s17] =	ssyncadd.s32 $0xFFFFEC00  }
0x43: {  	[tilespmem:s16], [sflag:$0x1] =	stream.indirect.gather [hbm4b:s1+s19], $0x80, s30, s19, $0xb8;
	[tilespmem:$0x1E400] =	vst v63  }
0x44: {  	_ =	swait.ge [sflag:s20], $0x4000  }
0x45: {  	[sflag:s20] =	ssyncset.done $0x0  }
0x46: {  	s30 =	simm.s32 $0x80;
	[sflag:s20] =	ssyncadd.s32 $0xFFFFC000  }
0x47: {  	[tilespmem:s21], [sflag:$0x2] =	stream.indirect.gather [hbm4b:s1+s19], $0x80, s30, s19, $0xb8;
	[tilespmem:$0x1E400] =	vst v63  }
0x48: {  	s30 =	simm.s32 $0x1400  }
0x49: {  	[spmem:s2] =	stream.indirect.scatter.add.f32 [tilespmem:s16], [sflag:$0x3], $0x80, s30, s19, $0xb8;
	[tilespmem:$0x1E400] =	vst v63  }
0x4a: {  	_ =	swait.ge [sflag:s17], $0x4000  }
0x4b: {  	[sflag:s17] =	ssyncset.done $0x0  }
0x4c: {  	s30 =	simm.s32 $0x100;
	[sflag:s17] =	ssyncadd.s32 $0xFFFFC000  }
0x4d: {  	[tilespmem:s16], [sflag:$0x1] =	stream.indirect.gather [hbm4b:s1+s19], $0x80, s30, s19, $0xb8;
	[tilespmem:$0x1E400] =	vst v63  }
0x4e: {  	_ =	swait.ge [sflag:s22], $0x4000  }
0x4f: {  	[sflag:s22] =	ssyncset.done $0x0  }
0x50: {  	s30 =	simm.s32 $0x1480;
	[sflag:s22] =	ssyncadd.s32 $0xFFFFC000  }
0x51: {  	[spmem:s2] =	stream.indirect.scatter.add.f32 [tilespmem:s21], [sflag:$0x3], $0x80, s30, s19, $0xb8;
	[tilespmem:$0x1E400] =	vst v63  }
0x52: {  	_ =	swait.ge [sflag:s17], $0x4000  }
0x53: {  	s30 =	simm.s32 $0x400;
	[sflag:s17] =	ssyncset.done $0x0  }
.LBB2_4:
0x54: {  	p1 =	sne.s32 s30, $0x4800  }
0x55: {  	[sflag:s17] =	ssyncadd.s32 $0xFFFFC000;
	s31 =	smov.u32 s30;
	s30 =	sadd.s32 $0x400, s30  }
0x56: {  	_ =	swait.ge [sflag:s20], $0x4000  }
0x57: {  	s31 =	sshra.s32 s31, $0x2;
	[sflag:s20] =	ssyncset.done $0x0  }
0x58: {  	s0 =	sadd.s32 $0x80, s31;
	[sflag:s20] =	ssyncadd.s32 $0xFFFFC000  }
0x59: {  	[tilespmem:s21], [sflag:$0x2] =	stream.indirect.gather [hbm4b:s1+s19], $0x80, s0, s19, $0xb8;
	[tilespmem:$0x1E400] =	vst v63  }
0x5a: {  	s0 =	sadd.s32 $0x1400, s31  }
0x5b: {  	[spmem:s2] =	stream.indirect.scatter.add.f32 [tilespmem:s16], [sflag:$0x3], $0x80, s0, s19, $0xb8;
	[tilespmem:$0x1E400] =	vst v63  }
0x5c: {  	_ =	swait.ge [sflag:s17], $0x4000  }
0x5d: {  	[sflag:s17] =	ssyncset.done $0x0  }
0x5e: {  	s0 =	sadd.s32 $0x100, s31;
	[sflag:s17] =	ssyncadd.s32 $0xFFFFC000  }
0x5f: {  	[tilespmem:s16], [sflag:$0x1] =	stream.indirect.gather [hbm4b:s1+s19], $0x80, s0, s19, $0xb8;
	[tilespmem:$0x1E400] =	vst v63  }
0x60: {  	_ =	swait.ge [sflag:s22], $0x4000  }
.Ltmp1:
0x61: {  	[sflag:s22] =	ssyncset.done $0x0;
	(pc) =	sbr.rel @p1 .LBB2_4-.Ltmp1, $4  }
0x62: {  	s0 =	sadd.s32 $0x1480, s31;
	[sflag:s22] =	ssyncadd.s32 $0xFFFFC000  }
0x63: {  	[spmem:s2] =	stream.indirect.scatter.add.f32 [tilespmem:s21], [sflag:$0x3], $0x80, s0, s19, $0xb8;
	[tilespmem:$0x1E400] =	vst v63  }
0x64: {  	_ =	swait.ge [sflag:s17], $0x4000  }
0x65: {  	[sflag:s17] =	ssyncset.done $0x0  }
0x66: {  	[sflag:s17] =	ssyncadd.s32 $0xFFFFC000  }
0x67: {  	_ =	swait.ge [sflag:s20], $0x4000  }
0x68: {  	[sflag:s20] =	ssyncset.done $0x0  }
0x69: {  	[sflag:s20] =	ssyncadd.s32 $0xFFFFC000  }
0x6a: {  	[tilespmem:s21], [sflag:$0x2] =	stream.indirect.gather [hbm4b:s1+s19], $0x80, s26, s19, $0xb8;
	[tilespmem:$0x1E400] =	vst v63  }
0x6b: {  	_ = 	snop  }
0x6c: {  	[spmem:s2] =	stream.indirect.scatter.add.f32 [tilespmem:s16], [sflag:$0x3], $0x80, s28, s19, $0xb8;
	[tilespmem:$0x1E400] =	vst v63  }
0x6d: {  	_ =	swait.ge [sflag:s17], $0x4000  }
0x6e: {  	[sflag:s17] =	ssyncset.done $0x0  }
0x6f: {  	[sflag:s17] =	ssyncadd.s32 $0xFFFFC000  }
0x70: {  	_ =	swait.ge [sflag:s22], $0x4000  }
0x71: {  	[sflag:s22] =	ssyncset.done $0x0  }
0x72: {  	[sflag:s22] =	ssyncadd.s32 $0xFFFFC000  }
0x73: {  	[spmem:s2] =	stream.indirect.scatter.add.f32 [tilespmem:s21], [sflag:$0x3], $0x80, s29, s19, $0xb8;
	[tilespmem:$0x1E400] =	vst v63  }
0x74: {  	_ =	swait.ge [sflag:s17], $0x4000  }
0x75: {  	[sflag:s17] =	ssyncset.done $0x0  }
0x76: {  	s0 =	simm.s32 $0x0;
	[sflag:s17] =	ssyncadd.s32 $0xFFFFC000  }
0x77: {  	[tilespmem:s0], [sflag:$0x3] =	stream.linear.gather [hbm4b:s12+s0], $0x1400, $0x38;
	[tilespmem:$0x1E400] =	vst v63  }
0x78: {  	_ =	swait.ge [sflag:s17], $0x1400  }
0x79: {  	[sflag:s17] =	ssyncset.done $0x0  }
0x7a: {  	[sflag:s17] =	ssyncadd.s32 $0xFFFFEC00  }
0x7b: {  	[tilespmem:s18], [sflag:$0x3] =	stream.linear.gather [hbm4b:s13+s0], $0x1400, $0x38;
	[tilespmem:$0x1E400] =	vst v63  }
0x7c: {  	_ =	swait.ge [sflag:s17], $0x1400  }
0x7d: {  	[sflag:s17] =	ssyncset.done $0x0  }
0x7e: {  	[sflag:s17] =	ssyncadd.s32 $0xFFFFEC00  }
0x7f: {  	[tilespmem:s16], [sflag:$0x1] =	stream.indirect.gather [hbm4b:s1+s19], $0x80, s0, s19, $0xb8;
	[tilespmem:$0x1E400] =	vst v63  }
0x80: {  	_ =	swait.ge [sflag:s20], $0x4000  }
0x81: {  	[sflag:s20] =	ssyncset.done $0x0  }
0x82: {  	s31 =	simm.s32 $0x80;
	[sflag:s20] =	ssyncadd.s32 $0xFFFFC000  }
0x83: {  	[tilespmem:s21], [sflag:$0x2] =	stream.indirect.gather [hbm4b:s1+s19], $0x80, s31, s19, $0xb8;
	[tilespmem:$0x1E400] =	vst v63  }
0x84: {  	s31 =	simm.s32 $0x1400  }
0x85: {  	[spmem:s2] =	stream.indirect.scatter.add.f32 [tilespmem:s16], [sflag:$0x3], $0x80, s31, s19, $0xb8;
	[tilespmem:$0x1E400] =	vst v63  }
0x86: {  	_ =	swait.ge [sflag:s17], $0x4000  }
0x87: {  	[sflag:s17] =	ssyncset.done $0x0  }
0x88: {  	s31 =	simm.s32 $0x100;
	[sflag:s17] =	ssyncadd.s32 $0xFFFFC000  }
0x89: {  	[tilespmem:s16], [sflag:$0x1] =	stream.indirect.gather [hbm4b:s1+s19], $0x80, s31, s19, $0xb8;
	[tilespmem:$0x1E400] =	vst v63  }
0x8a: {  	_ =	swait.ge [sflag:s22], $0x4000  }
0x8b: {  	[sflag:s22] =	ssyncset.done $0x0  }
0x8c: {  	s31 =	simm.s32 $0x1480;
	[sflag:s22] =	ssyncadd.s32 $0xFFFFC000  }
0x8d: {  	[spmem:s2] =	stream.indirect.scatter.add.f32 [tilespmem:s21], [sflag:$0x3], $0x80, s31, s19, $0xb8;
	[tilespmem:$0x1E400] =	vst v63  }
0x8e: {  	_ =	swait.ge [sflag:s17], $0x4000  }
0x8f: {  	s30 =	simm.s32 $0x400;
	[sflag:s17] =	ssyncset.done $0x0  }
.LBB2_6:
0x90: {  	p1 =	sne.s32 s30, $0x4800  }
0x91: {  	[sflag:s17] =	ssyncadd.s32 $0xFFFFC000;
	s0 =	smov.u32 s30;
	s30 =	sadd.s32 $0x400, s30  }
0x92: {  	_ =	swait.ge [sflag:s20], $0x4000  }
0x93: {  	s0 =	sshra.s32 s0, $0x2;
	[sflag:s20] =	ssyncset.done $0x0  }
0x94: {  	s31 =	sadd.s32 $0x80, s0;
	[sflag:s20] =	ssyncadd.s32 $0xFFFFC000  }
0x95: {  	[tilespmem:s21], [sflag:$0x2] =	stream.indirect.gather [hbm4b:s1+s19], $0x80, s31, s19, $0xb8;
	[tilespmem:$0x1E400] =	vst v63  }
0x96: {  	s31 =	sadd.s32 $0x1400, s0  }
0x97: {  	[spmem:s2] =	stream.indirect.scatter.add.f32 [tilespmem:s16], [sflag:$0x3], $0x80, s31, s19, $0xb8;
	[tilespmem:$0x1E400] =	vst v63  }
0x98: {  	_ =	swait.ge [sflag:s17], $0x4000  }
0x99: {  	[sflag:s17] =	ssyncset.done $0x0  }
0x9a: {  	s31 =	sadd.s32 $0x100, s0;
	[sflag:s17] =	ssyncadd.s32 $0xFFFFC000  }
0x9b: {  	[tilespmem:s16], [sflag:$0x1] =	stream.indirect.gather [hbm4b:s1+s19], $0x80, s31, s19, $0xb8;
	[tilespmem:$0x1E400] =	vst v63  }
0x9c: {  	_ =	swait.ge [sflag:s22], $0x4000  }
.Ltmp2:
0x9d: {  	[sflag:s22] =	ssyncset.done $0x0;
	(pc) =	sbr.rel @p1 .LBB2_6-.Ltmp2, $4  }
0x9e: {  	s0 =	sadd.s32 $0x1480, s0;
	[sflag:s22] =	ssyncadd.s32 $0xFFFFC000  }
0x9f: {  	[spmem:s2] =	stream.indirect.scatter.add.f32 [tilespmem:s21], [sflag:$0x3], $0x80, s0, s19, $0xb8;
	[tilespmem:$0x1E400] =	vst v63  }
0xa0: {  	_ =	swait.ge [sflag:s17], $0x4000  }
0xa1: {  	[sflag:s17] =	ssyncset.done $0x0  }
0xa2: {  	[sflag:s17] =	ssyncadd.s32 $0xFFFFC000  }
0xa3: {  	_ =	swait.ge [sflag:s20], $0x4000  }
0xa4: {  	[sflag:s20] =	ssyncset.done $0x0  }
0xa5: {  	[sflag:s20] =	ssyncadd.s32 $0xFFFFC000  }
0xa6: {  	[tilespmem:s21], [sflag:$0x2] =	stream.indirect.gather [hbm4b:s1+s19], $0x80, s26, s19, $0xb8;
	[tilespmem:$0x1E400] =	vst v63  }
0xa7: {  	_ = 	snop  }
0xa8: {  	[spmem:s2] =	stream.indirect.scatter.add.f32 [tilespmem:s16], [sflag:$0x3], $0x80, s28, s19, $0xb8;
	[tilespmem:$0x1E400] =	vst v63  }
0xa9: {  	_ =	swait.ge [sflag:s17], $0x4000  }
0xaa: {  	[sflag:s17] =	ssyncset.done $0x0  }
0xab: {  	[sflag:s17] =	ssyncadd.s32 $0xFFFFC000  }
0xac: {  	_ =	swait.ge [sflag:s22], $0x4000  }
0xad: {  	[sflag:s22] =	ssyncset.done $0x0  }
0xae: {  	[sflag:s22] =	ssyncadd.s32 $0xFFFFC000  }
0xaf: {  	[spmem:s2] =	stream.indirect.scatter.add.f32 [tilespmem:s21], [sflag:$0x3], $0x80, s29, s19, $0xb8;
	[tilespmem:$0x1E400] =	vst v63  }
0xb0: {  	_ =	swait.ge [sflag:s17], $0x4000  }
0xb1: {  	[sflag:s17] =	ssyncset.done $0x0  }
0xb2: {  	s0 =	sshll.u32 s4, $0x6;
	[sflag:s17] =	ssyncadd.s32 $0xFFFFC000  }
0xb3: {  	s0 =	sor.u32 $0x1C03, s0;
	[bflag:$0x0] =	sbarrier.arrive $0xFFFF  }
0xb4: {  	[hbm:s23], [sflag:s0] =	dma.local [spmem:s24], $0x2700  }
0xb5: {  	_ =	swait.ge [sflag:s17], $0x2700  }
0xb6: {  	s3 =	sadd.s32 $0x1, s3;
	[sflag:s17] =	ssyncset.done $0x0  }
0xb7: {  	s30 =	sadd.s32 @!p0 $0x27000, s14;
	p1 =	sne.s32 s3, s15;
	[sflag:s17] =	ssyncadd.s32 $0xFFFFD900  }
0xb8: {  	[hbm:s30], [sflag:s0] =	dma.local @!p0 [spmem:s25], $0x100  }
.Ltmp3:
0xb9: {  	_ = 	snop;
	(pc) =	sbr.rel @p1 .LBB2_1-.Ltmp3, $4  }
0xba: {  	s0 =	simm.s32 @!p0 $0x3  }
0xbb: {  	_ =	swait.ge @!p0 [sflag:s0], $0x100  }
0xbc: {  	[sflag:s0] =	ssyncset.done @!p0 $0x0  }
0xbd: {  	[sflag:s0] =	ssyncadd.s32 @!p0 $0xFFFFFF00  }
0xbe: {  	_ =	sfence.sel $0x180000  }
0xbf: {  	[bflag:$0x0] =	sbarrier.arrive $0xFFFF  }
0xc0: {  	_ =	strace $0x9000004A  }
0xc1: {  	[bflag:$0x2] =	sbarrier.arrive $0xFFFF  }
0xc2: {  	p0 =	sne.s32 s4, $0x0;
	s0 =	rddreg [dreg:$0x3]  }
0xc3: {  	s0 =	sadd.s32 @!p0 $0x100000, s0  }
0xc4: {  	[sflag:s0] =	ssyncadd.tile.s32 @!p0 $0x1;
	_ =	shalt  }
.Lfunc_end2:
_tile_overlayer_lowered:
.L_overlay_start_2:
0xc5: {  	(tag) =	ssettag $0x2  }
0xc6: {  	s0 =	rddreg [dreg:$0x0];
	s2 =	stileid.u32  }
0xc7: {  	s1 =	rddreg [dreg:$0x1];
	p0 =	sne.s32 s2, $0x0  }
0xc8: {  	s3 =	rddreg [dreg:$0x2];
	[bflag:$0x3] =	sbarrier.arrive $0xFFFF;
	s2 =	simm.s32 @!p0 $0x1C03  }
0xc9: {  	[timem:s3], [sflag:s2] =	dma.local @!p0 [hbm:s0], s1  }
0xca: {  	s0 =	simm.s32 @!p0 $0x3  }
0xcb: {  	_ =	swait.ge @!p0 [sflag:s0], s1  }
0xcc: {  	s1 =	ssub.s32 @!p0 $0x0, s1;
	[sflag:s0] =	ssyncset.done @!p0 $0x0  }
0xcd: {  	[sflag:s0] =	ssyncadd.s32 @!p0 s1  }
0xce: {  	[bflag:$0x3] =	sbarrier.arrive $0xFFFF  }
0xcf: {  	_ =	shalt  }

// kernel: kernel.13.cloned.1.call-start
scs
__scs_entry_jumppad:
0x0: {  	(pc) =	sbr.rel $0x88, $3  }
0x1: {  	(tag) =	ssettag $0x0;
	lr =	simm.s32 $0x1  }
0x2: {  	[smem:$0x3F99] =	sst lr;
	_ =	strace $0xD0000000  }
0x3: {  	_ = 	snop  }
0x4: {  	_ = 	snop  }
0x5: {  	_ = 	snop  }
0x6: {  	_ = 	snop  }
0x7: {  	_ = 	snop  }
__scs_overlays_trampoline_lowered:
0x8: {  	[smem:$0x3FA8] =	sst s0  }
0x9: {  	[smem:$0x3FA9] =	sst s1  }
0xa: {  	[smem:$0x3FAA] =	sst s2  }
0xb: {  	[smem:$0x3FAB] =	sst s3  }
0xc: {  	[smem:$0x3FAC] =	sst s4  }
0xd: {  	[smem:$0x3FAD] =	sst s5  }
0xe: {  	[smem:$0x3FAE] =	sst s6  }
0xf: {  	[smem:$0x3FAF] =	sst s7  }
0x10: {  	[smem:$0x3FB0] =	sst s8  }
0x11: {  	[smem:$0x3FB1] =	sst s9;
	s0 =	simm.s32 @!p0 $0x0  }
0x12: {  	s1 =	sld [smem:$0x3F97];
	s0 =	simm.s32 @p0 $0x1  }
0x13: {  	[smem:$0x3FB2] =	sst s0;
	s0 =	simm.s32 @!p1 $0x0  }
0x14: {  	s2 =	sld [smem:$0x3F96];
	s0 =	simm.s32 @p1 $0x1  }
0x15: {  	[smem:$0x3FB3] =	sst s0;
	s0 =	simm.s32 @!p2 $0x0  }
0x16: {  	s3 =	sld [smem:$0x3FDB];
	s0 =	simm.s32 @p2 $0x1  }
0x17: {  	s4 =	simm.s32 $0x1BF5;
	[smem:$0x3FB5] =	sst s0  }
0x18: {  	s0 =	sld [smem:$0x3F98];
	_ =	swait.ge [sflag:s4], $0x0  }
0x19: {  	s7 =	sld [smem:$0x3F99]  }
0x1a: {  	s8 =	sadd.s32 $0xFFFFE003, lr  }
0x1b: {  	s9 =	sadd.s32 $0xFFFFFEF7, lr;
	s5 =	simm.s32 $0xFFFFFFFF;
	p2 =	slt.u32 s8, $0xFFFFF086  }
0x1c: {  	p1 =	slt.u32 s9, $0xF7A;
	s5 =	simm.s32 @!p2 $0x0  }
0x1d: {  	s5 =	simm.s32 @p1 $0x1;
	p0 =	seq.s32 s7, s2  }
0x1e: {  	s7 =	smul.u32 @!p0 $0xF7A, s2;
	p2 =	seq.s32 @!p0 s5, $0x0  }
0x1f: {  	s9 =	smul.u32 $0xF7A, s1;
	s8 =	simm.s32 @!p0 $0x1BF5;
	p2 =	por !p2, p0  }
0x20: {  	[sflag:s8] =	ssyncset.s32 @!p0 $0xFFFFF086;
	s6 =	sadd.s32 @!p0 s3, s7;
	s7 =	simm.s32 @!p0 $0x108  }
0x21: {  	s3 =	sadd.s32 s3, s9;
	s6 =	sadd.s32 @!p0 $0x88, s6;
	s7 =	simm.s32 @p2 $0x1082  }
0x22: {  	[simem:s7], [sflag:s8] =	dma.local @!p0 [hbm:s6], $0xF7A  }
0x23: {  	s9 =	sor.u32 $0xD0000000, s2;
	s6 =	simm.s32 $0x108;
	_ =	swait.ge @!p0 [sflag:s8], $0x0  }
0x24: {  	s3 =	sadd.s32 $0x88, s3;
	s6 =	simm.s32 @!p1 $0x1082;
	[sflag:s4] =	ssyncset.s32 $0xFFFFF086  }
0x25: {  	[simem:s6], [sflag:s4] =	dma.local [hbm:s3], $0xF7A  }
0x26: {  	[smem:$0x3F99] =	sst s1;
	(tag) =	ssettag s2;
	_ =	strace s9  }
0x27: {  	s1 =	sld [smem:$0x3FA9]  }
0x28: {  	s2 =	sld [smem:$0x3FAA]  }
0x29: {  	s4 =	sld [smem:$0x3FAC]  }
0x2a: {  	p0 =	seq.s32 s5, $0x0;
	s5 =	sld [smem:$0x3FAD]  }
0x2b: {  	s6 =	sld [smem:$0x3FAE]  }
0x2c: {  	s7 =	sld [smem:$0x3FAF]  }
0x2d: {  	s3 =	simm.s32 $0x108;
	s8 =	sld [smem:$0x3FB0]  }
0x2e: {  	s3 =	simm.s32 @!p0 $0x1082;
	s9 =	sld [smem:$0x3FB1]  }
0x2f: {  	lr =	sadd.s32 s0, s3;
	s0 =	sld [smem:$0x3FA8]  }
0x30: {  	s3 =	sld [smem:$0x3FAB]  }
0x31: {  	[smem:$0x3FB4] =	sst s10  }
0x32: {  	s10 =	sld [smem:$0x3FB2];
	_ =	sdelay $0x3  }
0x33: {  	p0 =	seq.s32 s10, $0x1;
	s10 =	sld [smem:$0x3FB4];
	_ =	sdelay $0x3  }
0x34: {  	[smem:$0x3FB4] =	sst s10  }
0x35: {  	s10 =	sld [smem:$0x3FB3];
	_ =	sdelay $0x3  }
0x36: {  	p1 =	seq.s32 s10, $0x1;
	s10 =	sld [smem:$0x3FB4];
	_ =	sdelay $0x3  }
0x37: {  	[smem:$0x3FB4] =	sst s10  }
0x38: {  	s10 =	sld [smem:$0x3FB5]  }
0x39: {  	_ = 	snop;
	(pc) =	sbr.ind lr, $3  }
0x3a: {  	_ = 	snop  }
0x3b: {  	_ = 	snop  }
0x3c: {  	p2 =	seq.s32 s10, $0x1;
	s10 =	sld [smem:$0x3FB4]  }
0x3d: {  	_ =	shalt  }
0x3e: {  	_ =	shalt  }
0x3f: {  	_ =	shalt  }
0x40: {  	_ =	shalt  }
0x41: {  	_ =	shalt  }
0x42: {  	_ =	shalt  }
0x43: {  	_ =	shalt  }
0x44: {  	_ =	shalt  }
0x45: {  	_ =	shalt  }
0x46: {  	_ =	shalt  }
0x47: {  	_ =	shalt  }
0x48: {  	_ =	shalt  }
0x49: {  	_ =	shalt  }
0x4a: {  	_ =	shalt  }
0x4b: {  	_ =	shalt  }
0x4c: {  	_ =	shalt  }
0x4d: {  	_ =	shalt  }
0x4e: {  	_ =	shalt  }
0x4f: {  	_ =	shalt  }
0x50: {  	_ =	shalt  }
0x51: {  	_ =	shalt  }
0x52: {  	_ =	shalt  }
0x53: {  	_ =	shalt  }
0x54: {  	_ =	shalt  }
0x55: {  	_ =	shalt  }
0x56: {  	_ =	shalt  }
0x57: {  	_ =	shalt  }
0x58: {  	_ =	shalt  }
0x59: {  	_ =	shalt  }
0x5a: {  	_ =	shalt  }
0x5b: {  	_ =	shalt  }
0x5c: {  	_ =	shalt  }
0x5d: {  	_ =	shalt  }
0x5e: {  	_ =	shalt  }
0x5f: {  	_ =	shalt  }
0x60: {  	_ =	shalt  }
0x61: {  	_ =	shalt  }
0x62: {  	_ =	shalt  }
0x63: {  	_ =	shalt  }
0x64: {  	_ =	shalt  }
0x65: {  	_ =	shalt  }
0x66: {  	_ =	shalt  }
0x67: {  	_ =	shalt  }
0x68: {  	_ =	shalt  }
0x69: {  	_ =	shalt  }
0x6a: {  	_ =	shalt  }
0x6b: {  	_ =	shalt  }
0x6c: {  	_ =	shalt  }
0x6d: {  	_ =	shalt  }
0x6e: {  	_ =	shalt  }
0x6f: {  	_ =	shalt  }
0x70: {  	_ =	shalt  }
0x71: {  	_ =	shalt  }
0x72: {  	_ =	shalt  }
0x73: {  	_ =	shalt  }
0x74: {  	_ =	shalt  }
0x75: {  	_ =	shalt  }
0x76: {  	_ =	shalt  }
0x77: {  	_ =	shalt  }
0x78: {  	_ =	shalt  }
0x79: {  	_ =	shalt  }
0x7a: {  	_ =	shalt  }
0x7b: {  	_ =	shalt  }
0x7c: {  	_ =	shalt  }
0x7d: {  	_ =	shalt  }
0x7e: {  	_ =	shalt  }
0x7f: {  	_ =	shalt  }
0x80: {  	_ =	shalt  }
0x81: {  	_ =	shalt  }
0x82: {  	_ =	shalt  }
0x83: {  	_ =	shalt  }
0x84: {  	_ =	shalt  }
0x85: {  	_ =	shalt  }
0x86: {  	_ =	shalt  }
0x87: {  	_ =	shalt  }
.Lfunc_end0:
.L_simem_size_0:
called_computation.2_lowered:
.L_overlay_start_0:
0x88: {  	s2 =	sld [smem:$0x3FD9]  }
0x89: {  	s3 =	sld [smem:$0x3FFE];
	_ =	sdelay $0x1  }
0x8a: {  	s1 =	srdreg.scid  }
0x8b: {  	s0 =	sand.u32 $0x1, s1  }
0x8c: {  	s16 =	sshll.u32 s0, $0xA;
	s2 =	sadd.s32 s3, s2  }
0x8d: {  	s2 =	sadd.s32 s2, s16  }
0x8e: {  	[smem:$0x3FC0] =	sst s2  }
0x8f: {  	_ = 	snop  }
0x90: {  	(tm) =	ssettm $0x1  }
0x91: {  	s17 =	sld [smem:$0x3FFB];
	_ =	sdelay $0x3  }
0x92: {  	_ =	strace s17  }
0x93: {  	s2 =	sld [smem:$0x3FFC];
	_ =	sdelay $0x3  }
0x94: {  	_ =	strace s2  }
0x95: {  	s2 =	sld [smem:$0x3FFD];
	_ =	sdelay $0x3  }
0x96: {  	_ =	strace s2  }
0x97: {  	_ =	strace $0x8FFFFFFF  }
0x98: {  	s18 =	sld [smem:$0x3FDB];
	_ =	sdelay $0x1  }
0x99: {  	s19 =	simm.s32 $_scs_section_size  }
0x9a: {  	s4 =	simm.s32 $_size__tile_overlayer_lowered;
	s5 =	simm.s32 $_tile_overlayer_lowered  }
0x9b: {  	s22 =	simm.s32 $0x1BFF;
	s21 =	sshll.u32 s5, $0x1;
	s2 =	sadd.s32 s19, s18  }
0x9c: {  	s6 =	simm.s32 $0x0;
	s20 =	sshll.u32 s4, $0x1;
	s4 =	sadd.s32 s21, s2  }
0x9d: {  	[timem:s6], [sflag:s22] =	dma.local [hbm:s4], s20  }
0x9e: {  	_ =	swait.ge [sflag:s22], s20  }
0x9f: {  	s3 =	ssub.s32 $0x0, s20;
	[sflag:s22] =	ssyncset.done $0x0  }
0xa0: {  	[sflag:s22] =	ssyncadd.s32 s3;
	_ =	sdelay $0x1  }
0xa1: {  	s23 =	simm.s32 $0x1B8B  }
0xa2: {  	_ =	swait.ge [sflag:s23], $0x1  }
0xa3: {  	[sflag:s23] =	ssyncset.done $0x0  }
0xa4: {  	s25 =	simm.s32 $0x1B8E;
	s24 =	sld [smem:$0x3FFE];
	[sflag:s23] =	ssyncadd.s32 $0xFFFFFFFF  }
0xa5: {  	s26 =	simm.s32 $execute0_lowered;
	[smem:$0x3FD2] =	sst s25  }
0xa6: {  	s4 =	sshll.u32 s26, $0x1;
	_ =	strace $0x8000004C;
	[dreg:$0x1] =	wrdreg $0xFFFFFFFF  }
0xa7: {  	s28 =	simm.s32 $_size_execute0_lowered;
	s2 =	sadd.s32 s2, s4;
	[dreg:$0x0] =	wrdreg $0x0  }
0xa8: {  	s4 =	sshll.u32 s28, $0x1;
	[dreg:$0x2] =	wrdreg s2  }
0xa9: {  	[dreg:$0x3] =	wrdreg s4  }
0xaa: {  	[dreg:$0x4] =	wrdreg $0xC0  }
0xab: {  	_ =	task [dreg:s6], $0x5FFFF  }
0xac: {  	[dreg:$0x1] =	wrdreg $0xFFFFFFFF  }
0xad: {  	[dreg:$0x0] =	wrdreg $0x60  }
0xae: {  	[dreg:$0x2] =	wrdreg s24  }
0xaf: {  	[dreg:$0x3] =	wrdreg $0xA8000  }
0xb0: {  	[dreg:$0x4] =	wrdreg $0x9  }
0xb1: {  	_ =	task.clear_ibuf [dreg:s6], $0x5FFFF;
	_ =	strace $0x9000004C  }
0xb2: {  	s29 =	simm.s32 $0x9;
	_ =	strace $0x8000004E  }
0xb3: {  	_ =	swait.ge [sflag:s29], $0x1  }
0xb4: {  	[sflag:s29] =	ssyncadd.s32 $0xFFFFFFFF  }
0xb5: {  	_ =	strace $0x9000004E  }
0xb6: {  	_ =	sfence  }
0xb7: {  	s30 =	sld [smem:$0x0];
	_ =	sdelay $0x2  }
0xb8: {  	s31 =	sshll.u32 s1, $0xD;
	s1 =	sshrl.u32 s1, $0x2  }
0xb9: {  	s3 =	sand.u32 $0x4000, s31;
	s1 =	sadd.s32 s1, s30  }
0xba: {  	s0 =	sor.u32 s3, s0;
	s1 =	sshll.u32 s1, $0x11  }
0xbb: {  	s0 =	sor.u32 s1, s0  }
0xbc: {  	s0 =	sadd.s32 $0x8F2B, s0  }
0xbd: {  	[sflag:s0] =	ssyncadd.remote.s32 $0x1  }
0xbe: {  	_ =	sfence.sel $0xFFFF  }
0xbf: {  	[dreg:$0x0] =	wrdreg $0xFFFFFFFF;
	(pc) =	sbr.abs _section_cstart, $3  }
0xc0: {  	[dreg:$0x1] =	wrdreg $0xFFFFFFFF  }
0xc1: {  	_ =	task.clear_ibuf [dreg:s6], $0x2FFFF;
	_ =	strace $0x9FFFFFFF  }
0xc2: {  	(tm) =	ssettm $0x7FFFFFFF  }
0xc3: {  	_ =	shalt  }
tec
execute0_lowered:
.L_overlay_start_1:
0x0: {  	(tag) =	ssettag $0x1  }
0x1: {  	s5 =	rddreg [dreg:$0x0]  }
0x2: {  	s1 =	rddreg [dreg:$0x1];
	s2 =	simm.s32 $0x0  }
0x3: {  	s3 =	srdreg.scid;
	s18 =	simm.s32 $0x1400;
	s19 =	simm.s32 $0x80  }
0x4: {  	s20 =	simm.s32 $0x1;
	s21 =	simm.s32 $0x6800;
	s22 =	simm.s32 $0x2  }
0x5: {  	s28 =	simm.s32 $0x2700;
	[smem:$0x7FF] =	sst s2;
	s6 =	sand.u32 $0x1, s3  }
0x6: {  	s29 =	simm.s32 $0x2780;
	s3 =	stileid.u32;
	s7 =	smul.u32 $0x27100, s6  }
0x7: {  	s4 =	sadd.s32 $0x16A00, s5;
	s12 =	sadd.s32 $0x2A00, s5;
	s8 =	smul.u32 $0x4F000, s3  }
0x8: {  	s13 =	sadd.s32 $0xCA00, s5;
	_ =	strace $0x8000004D;
	s17 =	smul.u32 $0x4E000, s3  }
0x9: {  	s25 =	sshll.u32 s6, $0x4;
	s6 =	ssub.s32 $0x2, s6;
	s23 =	smul.u32 $0x2700, s3  }
0xa: {  	p0 =	sne.s32 s3, $0xF;
	s9 =	sor.u32 s3, s25;
	s30 =	sshrl.u32 s6, $0x1  }
0xb: {  	s25 =	sadd.s32 $0x138000, s1;
	s14 =	sadd.s32 s7, s5;
	s10 =	smul.u32 $0x2800, s9  }
0xc: {  	s26 =	sshrl.u32 s8, $0x2;
	s15 =	ssub.s32 s6, s30;
	s11 =	smul.u32 $0x500, s9  }
0xd: {  	s31 =	sshrl.u32 s17, $0x2;
	s17 =	simm.s32 $0x3;
	s25 =	sshrl.u32 @!p0 s25, $0x3  }
0xe: {  	s5 =	sadd.s32 s26, s1;
	s14 =	sadd.s32 $0x3DC00, s14;
	s24 =	sadd.s32 s31, s1  }
0xf: {  	s15 =	smax.u32 s15, $0x1;
	s26 =	simm.s32 $0x1380;
	s6 =	sadd.s32 $0x4000, s5  }
0x10: {  	s7 =	sadd.s32 $0x8000, s5;
	s8 =	sadd.s32 $0xC000, s5;
	s10 =	sshrl.u32 s10, $0x3  }
0x11: {  	s9 =	sadd.s32 $0x10000, s5;
	s23 =	sadd.s32 s23, s14;
	s24 =	sshrl.u32 s24, $0x3  }
0x12: {  	s16 =	sadd.s32 $0x280, s10;
	s10 =	sadd.s32 s12, s11;
	s11 =	sadd.s32 s13, s11  }
0x13: {  	v0 =	vimm.f32 $0.0e+00;
	s12 =	sadd.s32 s12, s16;
	s13 =	sadd.s32 s13, s16;
	s16 =	simm.s32 $0x2800  }
.LBB2_1:
0x14: {  	s30 =	simm.s32 $0x0;
	s31 =	simm.s32 $0x200  }
.LBB2_2:
0x15: {  	p1 =	sne.s32 s31, $0xFE00;
	[tilespmem:s30+$0x2870] =	vst v0  }
0x16: {  	[tilespmem:s30+$0x2800] =	vst v0  }
0x17: {  	[tilespmem:s30+$0x2810] =	vst v0  }
.Ltmp0:
0x18: {  	[tilespmem:s30+$0x2820] =	vst v0;
	(pc) =	sbr.rel @p1 .LBB2_2-.Ltmp0, $4  }
0x19: {  	[tilespmem:s30+$0x2830] =	vst v0  }
0x1a: {  	[tilespmem:s30+$0x2840] =	vst v0  }
0x1b: {  	[tilespmem:s30+$0x2850] =	vst v0  }
0x1c: {  	[tilespmem:s30+$0x2860] =	vst v0;
	s30 =	sshra.s32 s31, $0x2;
	s31 =	sadd.s32 $0x200, s31  }
0x1d: {  	[tilespmem:s30+$0x2870] =	vst v0  }
0x1e: {  	[tilespmem:s30+$0x2800] =	vst v0  }
0x1f: {  	[tilespmem:s30+$0x2810] =	vst v0  }
0x20: {  	[tilespmem:s30+$0x2820] =	vst v0  }
0x21: {  	[tilespmem:s30+$0x2830] =	vst v0  }
0x22: {  	[tilespmem:s30+$0x2840] =	vst v0  }
0x23: {  	[tilespmem:s30+$0x2850] =	vst v0  }
0x24: {  	[tilespmem:s30+$0x2860] =	vst v0  }
0x25: {  	[spmem:s5] =	stream.linear.scatter [tilespmem:s16], [sflag:$0x3], $0x4000, $0x38;
	[tilespmem:$0x1E400] =	vst v63  }
0x26: {  	_ =	swait.ge [sflag:s17], $0x4000  }
0x27: {  	[sflag:s17] =	ssyncset.done $0x0  }
0x28: {  	[sflag:s17] =	ssyncadd.s32 $0xFFFFC000  }
0x29: {  	[spmem:s6] =	stream.linear.scatter [tilespmem:s16], [sflag:$0x3], $0x4000, $0x38;
	[tilespmem:$0x1E400] =	vst v63  }
0x2a: {  	_ =	swait.ge [sflag:s17], $0x4000  }
0x2b: {  	[sflag:s17] =	ssyncset.done $0x0  }
0x2c: {  	[sflag:s17] =	ssyncadd.s32 $0xFFFFC000  }
0x2d: {  	[spmem:s7] =	stream.linear.scatter [tilespmem:s16], [sflag:$0x3], $0x4000, $0x38;
	[tilespmem:$0x1E400] =	vst v63  }
0x2e: {  	_ =	swait.ge [sflag:s17], $0x4000  }
0x2f: {  	[sflag:s17] =	ssyncset.done $0x0  }
0x30: {  	[sflag:s17] =	ssyncadd.s32 $0xFFFFC000  }
0x31: {  	[spmem:s8] =	stream.linear.scatter [tilespmem:s16], [sflag:$0x3], $0x4000, $0x38;
	[tilespmem:$0x1E400] =	vst v63  }
0x32: {  	_ =	swait.ge [sflag:s17], $0x4000  }
0x33: {  	[sflag:s17] =	ssyncset.done $0x0  }
0x34: {  	[sflag:s17] =	ssyncadd.s32 $0xFFFFC000  }
0x35: {  	[spmem:s9] =	stream.linear.scatter [tilespmem:s16], [sflag:$0x3], $0x3C00, $0x38;
	[tilespmem:$0x1E400] =	vst v63  }
0x36: {  	_ =	swait.ge [sflag:s17], $0x3C00  }
0x37: {  	[sflag:s17] =	ssyncset.done $0x0  }
0x38: {  	[sflag:s17] =	ssyncadd.s32 $0xFFFFC400  }
0x39: {  	s30 =	simm.s32 $0x0;
	[bflag:$0x0] =	sbarrier.arrive $0xFFFF  }
0x3a: {  	[tilespmem:s30], [sflag:$0x3] =	stream.linear.gather [hbm4b:s10+s30], $0x1400, $0x38;
	[tilespmem:$0x1E400] =	vst v63  }
0x3b: {  	_ =	swait.ge [sflag:s17], $0x1400  }
0x3c: {  	[sflag:s17] =	ssyncset.done $0x0  }
0x3d: {  	[sflag:s17] =	ssyncadd.s32 $0xFFFFEC00  }
0x3e: {  	[tilespmem:s18], [sflag:$0x3] =	stream.linear.gather [hbm4b:s11+s30], $0x1400, $0x38;
	[tilespmem:$0x1E400] =	vst v63  }
0x3f: {  	_ =	swait.ge [sflag:s17], $0x1400  }
0x40: {  	[sflag:s17] =	ssyncset.done $0x0  }
0x41: {  	[sflag:s17] =	ssyncadd.s32 $0xFFFFEC00  }
0x42: {  	[tilespmem:s16], [sflag:$0x1] =	stream.indirect.gather [hbm4b:s4+s19], $0x80, s30, s19, $0xb8;
	[tilespmem:$0x1E400] =	vst v63  }
0x43: {  	_ =	swait.ge [sflag:s20], $0x4000  }
0x44: {  	[sflag:s20] =	ssyncset.done $0x0  }
0x45: {  	s30 =	simm.s32 $0x80;
	[sflag:s20] =	ssyncadd.s32 $0xFFFFC000  }
0x46: {  	[tilespmem:s21], [sflag:$0x2] =	stream.indirect.gather [hbm4b:s4+s19], $0x80, s30, s19, $0xb8;
	[tilespmem:$0x1E400] =	vst v63  }
0x47: {  	s30 =	simm.s32 $0x1400  }
0x48: {  	[spmem:s1] =	stream.indirect.scatter.add.f32 [tilespmem:s16], [sflag:$0x3], $0x80, s30, s19, $0xb8;
	[tilespmem:$0x1E400] =	vst v63  }
0x49: {  	_ =	swait.ge [sflag:s17], $0x4000  }
0x4a: {  	[sflag:s17] =	ssyncset.done $0x0  }
0x4b: {  	s30 =	simm.s32 $0x100;
	[sflag:s17] =	ssyncadd.s32 $0xFFFFC000  }
0x4c: {  	[tilespmem:s16], [sflag:$0x1] =	stream.indirect.gather [hbm4b:s4+s19], $0x80, s30, s19, $0xb8;
	[tilespmem:$0x1E400] =	vst v63  }
0x4d: {  	_ =	swait.ge [sflag:s22], $0x4000  }
0x4e: {  	[sflag:s22] =	ssyncset.done $0x0  }
0x4f: {  	s30 =	simm.s32 $0x1480;
	[sflag:s22] =	ssyncadd.s32 $0xFFFFC000  }
0x50: {  	[spmem:s1] =	stream.indirect.scatter.add.f32 [tilespmem:s21], [sflag:$0x3], $0x80, s30, s19, $0xb8;
	[tilespmem:$0x1E400] =	vst v63  }
0x51: {  	_ =	swait.ge [sflag:s17], $0x4000  }
0x52: {  	s30 =	simm.s32 $0x400;
	[sflag:s17] =	ssyncset.done $0x0  }
.LBB2_4:
0x53: {  	p1 =	sne.s32 s30, $0x4800  }
0x54: {  	[sflag:s17] =	ssyncadd.s32 $0xFFFFC000;
	s31 =	smov.u32 s30;
	s30 =	sadd.s32 $0x400, s30  }
0x55: {  	_ =	swait.ge [sflag:s20], $0x4000  }
0x56: {  	s31 =	sshra.s32 s31, $0x2;
	[sflag:s20] =	ssyncset.done $0x0  }
0x57: {  	s0 =	sadd.s32 $0x80, s31;
	[sflag:s20] =	ssyncadd.s32 $0xFFFFC000  }
0x58: {  	[tilespmem:s21], [sflag:$0x2] =	stream.indirect.gather [hbm4b:s4+s19], $0x80, s0, s19, $0xb8;
	[tilespmem:$0x1E400] =	vst v63  }
0x59: {  	s0 =	sadd.s32 $0x1400, s31  }
0x5a: {  	[spmem:s1] =	stream.indirect.scatter.add.f32 [tilespmem:s16], [sflag:$0x3], $0x80, s0, s19, $0xb8;
	[tilespmem:$0x1E400] =	vst v63  }
0x5b: {  	_ =	swait.ge [sflag:s17], $0x4000  }
0x5c: {  	[sflag:s17] =	ssyncset.done $0x0  }
0x5d: {  	s0 =	sadd.s32 $0x100, s31;
	[sflag:s17] =	ssyncadd.s32 $0xFFFFC000  }
0x5e: {  	[tilespmem:s16], [sflag:$0x1] =	stream.indirect.gather [hbm4b:s4+s19], $0x80, s0, s19, $0xb8;
	[tilespmem:$0x1E400] =	vst v63  }
0x5f: {  	_ =	swait.ge [sflag:s22], $0x4000  }
.Ltmp1:
0x60: {  	[sflag:s22] =	ssyncset.done $0x0;
	(pc) =	sbr.rel @p1 .LBB2_4-.Ltmp1, $4  }
0x61: {  	s0 =	sadd.s32 $0x1480, s31;
	[sflag:s22] =	ssyncadd.s32 $0xFFFFC000  }
0x62: {  	[spmem:s1] =	stream.indirect.scatter.add.f32 [tilespmem:s21], [sflag:$0x3], $0x80, s0, s19, $0xb8;
	[tilespmem:$0x1E400] =	vst v63  }
0x63: {  	_ =	swait.ge [sflag:s17], $0x4000  }
0x64: {  	[sflag:s17] =	ssyncset.done $0x0  }
0x65: {  	[sflag:s17] =	ssyncadd.s32 $0xFFFFC000  }
0x66: {  	_ =	swait.ge [sflag:s20], $0x4000  }
0x67: {  	[sflag:s20] =	ssyncset.done $0x0  }
0x68: {  	[sflag:s20] =	ssyncadd.s32 $0xFFFFC000  }
0x69: {  	[tilespmem:s21], [sflag:$0x2] =	stream.indirect.gather [hbm4b:s4+s19], $0x80, s26, s19, $0xb8;
	[tilespmem:$0x1E400] =	vst v63  }
0x6a: {  	_ = 	snop  }
0x6b: {  	[spmem:s1] =	stream.indirect.scatter.add.f32 [tilespmem:s16], [sflag:$0x3], $0x80, s28, s19, $0xb8;
	[tilespmem:$0x1E400] =	vst v63  }
0x6c: {  	_ =	swait.ge [sflag:s17], $0x4000  }
0x6d: {  	[sflag:s17] =	ssyncset.done $0x0  }
0x6e: {  	[sflag:s17] =	ssyncadd.s32 $0xFFFFC000  }
0x6f: {  	_ =	swait.ge [sflag:s22], $0x4000  }
0x70: {  	[sflag:s22] =	ssyncset.done $0x0  }
0x71: {  	[sflag:s22] =	ssyncadd.s32 $0xFFFFC000  }
0x72: {  	[spmem:s1] =	stream.indirect.scatter.add.f32 [tilespmem:s21], [sflag:$0x3], $0x80, s29, s19, $0xb8;
	[tilespmem:$0x1E400] =	vst v63  }
0x73: {  	_ =	swait.ge [sflag:s17], $0x4000  }
0x74: {  	[sflag:s17] =	ssyncset.done $0x0  }
0x75: {  	s0 =	simm.s32 $0x0;
	[sflag:s17] =	ssyncadd.s32 $0xFFFFC000  }
0x76: {  	[tilespmem:s0], [sflag:$0x3] =	stream.linear.gather [hbm4b:s12+s0], $0x1400, $0x38;
	[tilespmem:$0x1E400] =	vst v63  }
0x77: {  	_ =	swait.ge [sflag:s17], $0x1400  }
0x78: {  	[sflag:s17] =	ssyncset.done $0x0  }
0x79: {  	[sflag:s17] =	ssyncadd.s32 $0xFFFFEC00  }
0x7a: {  	[tilespmem:s18], [sflag:$0x3] =	stream.linear.gather [hbm4b:s13+s0], $0x1400, $0x38;
	[tilespmem:$0x1E400] =	vst v63  }
0x7b: {  	_ =	swait.ge [sflag:s17], $0x1400  }
0x7c: {  	[sflag:s17] =	ssyncset.done $0x0  }
0x7d: {  	[sflag:s17] =	ssyncadd.s32 $0xFFFFEC00  }
0x7e: {  	[tilespmem:s16], [sflag:$0x1] =	stream.indirect.gather [hbm4b:s4+s19], $0x80, s0, s19, $0xb8;
	[tilespmem:$0x1E400] =	vst v63  }
0x7f: {  	_ =	swait.ge [sflag:s20], $0x4000  }
0x80: {  	[sflag:s20] =	ssyncset.done $0x0  }
0x81: {  	s31 =	simm.s32 $0x80;
	[sflag:s20] =	ssyncadd.s32 $0xFFFFC000  }
0x82: {  	[tilespmem:s21], [sflag:$0x2] =	stream.indirect.gather [hbm4b:s4+s19], $0x80, s31, s19, $0xb8;
	[tilespmem:$0x1E400] =	vst v63  }
0x83: {  	s31 =	simm.s32 $0x1400  }
0x84: {  	[spmem:s1] =	stream.indirect.scatter.add.f32 [tilespmem:s16], [sflag:$0x3], $0x80, s31, s19, $0xb8;
	[tilespmem:$0x1E400] =	vst v63  }
0x85: {  	_ =	swait.ge [sflag:s17], $0x4000  }
0x86: {  	[sflag:s17] =	ssyncset.done $0x0  }
0x87: {  	s31 =	simm.s32 $0x100;
	[sflag:s17] =	ssyncadd.s32 $0xFFFFC000  }
0x88: {  	[tilespmem:s16], [sflag:$0x1] =	stream.indirect.gather [hbm4b:s4+s19], $0x80, s31, s19, $0xb8;
	[tilespmem:$0x1E400] =	vst v63  }
0x89: {  	_ =	swait.ge [sflag:s22], $0x4000  }
0x8a: {  	[sflag:s22] =	ssyncset.done $0x0  }
0x8b: {  	s31 =	simm.s32 $0x1480;
	[sflag:s22] =	ssyncadd.s32 $0xFFFFC000  }
0x8c: {  	[spmem:s1] =	stream.indirect.scatter.add.f32 [tilespmem:s21], [sflag:$0x3], $0x80, s31, s19, $0xb8;
	[tilespmem:$0x1E400] =	vst v63  }
0x8d: {  	_ =	swait.ge [sflag:s17], $0x4000  }
0x8e: {  	s30 =	simm.s32 $0x400;
	[sflag:s17] =	ssyncset.done $0x0  }
.LBB2_6:
0x8f: {  	p1 =	sne.s32 s30, $0x4800  }
0x90: {  	[sflag:s17] =	ssyncadd.s32 $0xFFFFC000;
	s0 =	smov.u32 s30;
	s30 =	sadd.s32 $0x400, s30  }
0x91: {  	_ =	swait.ge [sflag:s20], $0x4000  }
0x92: {  	s0 =	sshra.s32 s0, $0x2;
	[sflag:s20] =	ssyncset.done $0x0  }
0x93: {  	s31 =	sadd.s32 $0x80, s0;
	[sflag:s20] =	ssyncadd.s32 $0xFFFFC000  }
0x94: {  	[tilespmem:s21], [sflag:$0x2] =	stream.indirect.gather [hbm4b:s4+s19], $0x80, s31, s19, $0xb8;
	[tilespmem:$0x1E400] =	vst v63  }
0x95: {  	s31 =	sadd.s32 $0x1400, s0  }
0x96: {  	[spmem:s1] =	stream.indirect.scatter.add.f32 [tilespmem:s16], [sflag:$0x3], $0x80, s31, s19, $0xb8;
	[tilespmem:$0x1E400] =	vst v63  }
0x97: {  	_ =	swait.ge [sflag:s17], $0x4000  }
0x98: {  	[sflag:s17] =	ssyncset.done $0x0  }
0x99: {  	s31 =	sadd.s32 $0x100, s0;
	[sflag:s17] =	ssyncadd.s32 $0xFFFFC000  }
0x9a: {  	[tilespmem:s16], [sflag:$0x1] =	stream.indirect.gather [hbm4b:s4+s19], $0x80, s31, s19, $0xb8;
	[tilespmem:$0x1E400] =	vst v63  }
0x9b: {  	_ =	swait.ge [sflag:s22], $0x4000  }
.Ltmp2:
0x9c: {  	[sflag:s22] =	ssyncset.done $0x0;
	(pc) =	sbr.rel @p1 .LBB2_6-.Ltmp2, $4  }
0x9d: {  	s0 =	sadd.s32 $0x1480, s0;
	[sflag:s22] =	ssyncadd.s32 $0xFFFFC000  }
0x9e: {  	[spmem:s1] =	stream.indirect.scatter.add.f32 [tilespmem:s21], [sflag:$0x3], $0x80, s0, s19, $0xb8;
	[tilespmem:$0x1E400] =	vst v63  }
0x9f: {  	_ =	swait.ge [sflag:s17], $0x4000  }
0xa0: {  	[sflag:s17] =	ssyncset.done $0x0  }
0xa1: {  	[sflag:s17] =	ssyncadd.s32 $0xFFFFC000  }
0xa2: {  	_ =	swait.ge [sflag:s20], $0x4000  }
0xa3: {  	[sflag:s20] =	ssyncset.done $0x0  }
0xa4: {  	[sflag:s20] =	ssyncadd.s32 $0xFFFFC000  }
0xa5: {  	[tilespmem:s21], [sflag:$0x2] =	stream.indirect.gather [hbm4b:s4+s19], $0x80, s26, s19, $0xb8;
	[tilespmem:$0x1E400] =	vst v63  }
0xa6: {  	_ = 	snop  }
0xa7: {  	[spmem:s1] =	stream.indirect.scatter.add.f32 [tilespmem:s16], [sflag:$0x3], $0x80, s28, s19, $0xb8;
	[tilespmem:$0x1E400] =	vst v63  }
0xa8: {  	_ =	swait.ge [sflag:s17], $0x4000  }
0xa9: {  	[sflag:s17] =	ssyncset.done $0x0  }
0xaa: {  	[sflag:s17] =	ssyncadd.s32 $0xFFFFC000  }
0xab: {  	_ =	swait.ge [sflag:s22], $0x4000  }
0xac: {  	[sflag:s22] =	ssyncset.done $0x0  }
0xad: {  	[sflag:s22] =	ssyncadd.s32 $0xFFFFC000  }
0xae: {  	[spmem:s1] =	stream.indirect.scatter.add.f32 [tilespmem:s21], [sflag:$0x3], $0x80, s29, s19, $0xb8;
	[tilespmem:$0x1E400] =	vst v63  }
0xaf: {  	_ =	swait.ge [sflag:s17], $0x4000  }
0xb0: {  	[sflag:s17] =	ssyncset.done $0x0  }
0xb1: {  	s0 =	sshll.u32 s3, $0x6;
	[sflag:s17] =	ssyncadd.s32 $0xFFFFC000  }
0xb2: {  	s0 =	sor.u32 $0x1C03, s0;
	[bflag:$0x0] =	sbarrier.arrive $0xFFFF  }
0xb3: {  	[hbm:s23], [sflag:s0] =	dma.local [spmem:s24], $0x2700  }
0xb4: {  	_ =	swait.ge [sflag:s17], $0x2700  }
0xb5: {  	s2 =	sadd.s32 $0x1, s2;
	[sflag:s17] =	ssyncset.done $0x0  }
0xb6: {  	s30 =	sadd.s32 @!p0 $0x27000, s14;
	p1 =	sne.s32 s2, s15;
	[sflag:s17] =	ssyncadd.s32 $0xFFFFD900  }
0xb7: {  	[hbm:s30], [sflag:s0] =	dma.local @!p0 [spmem:s25], $0x100  }
.Ltmp3:
0xb8: {  	_ = 	snop;
	(pc) =	sbr.rel @p1 .LBB2_1-.Ltmp3, $4  }
0xb9: {  	s0 =	simm.s32 @!p0 $0x3  }
0xba: {  	_ =	swait.ge @!p0 [sflag:s0], $0x100  }
0xbb: {  	[sflag:s0] =	ssyncset.done @!p0 $0x0  }
0xbc: {  	[sflag:s0] =	ssyncadd.s32 @!p0 $0xFFFFFF00  }
0xbd: {  	_ =	sfence.sel $0x180000  }
0xbe: {  	[bflag:$0x0] =	sbarrier.arrive $0xFFFF  }
0xbf: {  	_ =	strace $0x9000004D  }
0xc0: {  	[bflag:$0x2] =	sbarrier.arrive $0xFFFF  }
0xc1: {  	p0 =	sne.s32 s3, $0x0;
	s0 =	rddreg [dreg:$0x2]  }
0xc2: {  	s0 =	sadd.s32 @!p0 $0x100000, s0  }
0xc3: {  	[sflag:s0] =	ssyncadd.tile.s32 @!p0 $0x1;
	_ =	shalt  }
.Lfunc_end2:
_tile_overlayer_lowered:
.L_overlay_start_2:
0xc4: {  	(tag) =	ssettag $0x2  }
0xc5: {  	s0 =	rddreg [dreg:$0x0];
	s2 =	stileid.u32  }
0xc6: {  	s1 =	rddreg [dreg:$0x1];
	p0 =	sne.s32 s2, $0x0  }
0xc7: {  	s3 =	rddreg [dreg:$0x2];
	[bflag:$0x3] =	sbarrier.arrive $0xFFFF;
	s2 =	simm.s32 @!p0 $0x1C03  }
0xc8: {  	[timem:s3], [sflag:s2] =	dma.local @!p0 [hbm:s0], s1  }
0xc9: {  	s0 =	simm.s32 @!p0 $0x3  }
0xca: {  	_ =	swait.ge @!p0 [sflag:s0], s1  }
0xcb: {  	s1 =	ssub.s32 @!p0 $0x0, s1;
	[sflag:s0] =	ssyncset.done @!p0 $0x0  }
0xcc: {  	[sflag:s0] =	ssyncadd.s32 @!p0 s1  }
0xcd: {  	[bflag:$0x3] =	sbarrier.arrive $0xFFFF  }
0xce: {  	_ =	shalt  }

// kernel: kernel.7.cloned.1.call-start
scs
__scs_entry_jumppad:
0x0: {  	(pc) =	sbr.rel $0x88, $3  }
0x1: {  	(tag) =	ssettag $0x0;
	lr =	simm.s32 $0x1  }
0x2: {  	[smem:$0x3F99] =	sst lr;
	_ =	strace $0xD0000000  }
0x3: {  	_ = 	snop  }
0x4: {  	_ = 	snop  }
0x5: {  	_ = 	snop  }
0x6: {  	_ = 	snop  }
0x7: {  	_ = 	snop  }
__scs_overlays_trampoline_lowered:
0x8: {  	[smem:$0x3FA8] =	sst s0  }
0x9: {  	[smem:$0x3FA9] =	sst s1  }
0xa: {  	[smem:$0x3FAA] =	sst s2  }
0xb: {  	[smem:$0x3FAB] =	sst s3  }
0xc: {  	[smem:$0x3FAC] =	sst s4  }
0xd: {  	[smem:$0x3FAD] =	sst s5  }
0xe: {  	[smem:$0x3FAE] =	sst s6  }
0xf: {  	[smem:$0x3FAF] =	sst s7  }
0x10: {  	[smem:$0x3FB0] =	sst s8  }
0x11: {  	[smem:$0x3FB1] =	sst s9;
	s0 =	simm.s32 @!p0 $0x0  }
0x12: {  	s1 =	sld [smem:$0x3F97];
	s0 =	simm.s32 @p0 $0x1  }
0x13: {  	[smem:$0x3FB2] =	sst s0;
	s0 =	simm.s32 @!p1 $0x0  }
0x14: {  	s2 =	sld [smem:$0x3F96];
	s0 =	simm.s32 @p1 $0x1  }
0x15: {  	[smem:$0x3FB3] =	sst s0;
	s0 =	simm.s32 @!p2 $0x0  }
0x16: {  	s3 =	sld [smem:$0x3FDB];
	s0 =	simm.s32 @p2 $0x1  }
0x17: {  	s4 =	simm.s32 $0x1BF5;
	[smem:$0x3FB5] =	sst s0  }
0x18: {  	s0 =	sld [smem:$0x3F98];
	_ =	swait.ge [sflag:s4], $0x0  }
0x19: {  	s7 =	sld [smem:$0x3F99]  }
0x1a: {  	s8 =	sadd.s32 $0xFFFFE003, lr  }
0x1b: {  	s9 =	sadd.s32 $0xFFFFFEF7, lr;
	s5 =	simm.s32 $0xFFFFFFFF;
	p2 =	slt.u32 s8, $0xFFFFF086  }
0x1c: {  	p1 =	slt.u32 s9, $0xF7A;
	s5 =	simm.s32 @!p2 $0x0  }
0x1d: {  	s5 =	simm.s32 @p1 $0x1;
	p0 =	seq.s32 s7, s2  }
0x1e: {  	s7 =	smul.u32 @!p0 $0xF7A, s2;
	p2 =	seq.s32 @!p0 s5, $0x0  }
0x1f: {  	s9 =	smul.u32 $0xF7A, s1;
	s8 =	simm.s32 @!p0 $0x1BF5;
	p2 =	por !p2, p0  }
0x20: {  	[sflag:s8] =	ssyncset.s32 @!p0 $0xFFFFF086;
	s6 =	sadd.s32 @!p0 s3, s7;
	s7 =	simm.s32 @!p0 $0x108  }
0x21: {  	s3 =	sadd.s32 s3, s9;
	s6 =	sadd.s32 @!p0 $0x88, s6;
	s7 =	simm.s32 @p2 $0x1082  }
0x22: {  	[simem:s7], [sflag:s8] =	dma.local @!p0 [hbm:s6], $0xF7A  }
0x23: {  	s9 =	sor.u32 $0xD0000000, s2;
	s6 =	simm.s32 $0x108;
	_ =	swait.ge @!p0 [sflag:s8], $0x0  }
0x24: {  	s3 =	sadd.s32 $0x88, s3;
	s6 =	simm.s32 @!p1 $0x1082;
	[sflag:s4] =	ssyncset.s32 $0xFFFFF086  }
0x25: {  	[simem:s6], [sflag:s4] =	dma.local [hbm:s3], $0xF7A  }
0x26: {  	[smem:$0x3F99] =	sst s1;
	(tag) =	ssettag s2;
	_ =	strace s9  }
0x27: {  	s1 =	sld [smem:$0x3FA9]  }
0x28: {  	s2 =	sld [smem:$0x3FAA]  }
0x29: {  	s4 =	sld [smem:$0x3FAC]  }
0x2a: {  	p0 =	seq.s32 s5, $0x0;
	s5 =	sld [smem:$0x3FAD]  }
0x2b: {  	s6 =	sld [smem:$0x3FAE]  }
0x2c: {  	s7 =	sld [smem:$0x3FAF]  }
0x2d: {  	s3 =	simm.s32 $0x108;
	s8 =	sld [smem:$0x3FB0]  }
0x2e: {  	s3 =	simm.s32 @!p0 $0x1082;
	s9 =	sld [smem:$0x3FB1]  }
0x2f: {  	lr =	sadd.s32 s0, s3;
	s0 =	sld [smem:$0x3FA8]  }
0x30: {  	s3 =	sld [smem:$0x3FAB]  }
0x31: {  	[smem:$0x3FB4] =	sst s10  }
0x32: {  	s10 =	sld [smem:$0x3FB2];
	_ =	sdelay $0x3  }
0x33: {  	p0 =	seq.s32 s10, $0x1;
	s10 =	sld [smem:$0x3FB4];
	_ =	sdelay $0x3  }
0x34: {  	[smem:$0x3FB4] =	sst s10  }
0x35: {  	s10 =	sld [smem:$0x3FB3];
	_ =	sdelay $0x3  }
0x36: {  	p1 =	seq.s32 s10, $0x1;
	s10 =	sld [smem:$0x3FB4];
	_ =	sdelay $0x3  }
0x37: {  	[smem:$0x3FB4] =	sst s10  }
0x38: {  	s10 =	sld [smem:$0x3FB5]  }
0x39: {  	_ = 	snop;
	(pc) =	sbr.ind lr, $3  }
0x3a: {  	_ = 	snop  }
0x3b: {  	_ = 	snop  }
0x3c: {  	p2 =	seq.s32 s10, $0x1;
	s10 =	sld [smem:$0x3FB4]  }
0x3d: {  	_ =	shalt  }
0x3e: {  	_ =	shalt  }
0x3f: {  	_ =	shalt  }
0x40: {  	_ =	shalt  }
0x41: {  	_ =	shalt  }
0x42: {  	_ =	shalt  }
0x43: {  	_ =	shalt  }
0x44: {  	_ =	shalt  }
0x45: {  	_ =	shalt  }
0x46: {  	_ =	shalt  }
0x47: {  	_ =	shalt  }
0x48: {  	_ =	shalt  }
0x49: {  	_ =	shalt  }
0x4a: {  	_ =	shalt  }
0x4b: {  	_ =	shalt  }
0x4c: {  	_ =	shalt  }
0x4d: {  	_ =	shalt  }
0x4e: {  	_ =	shalt  }
0x4f: {  	_ =	shalt  }
0x50: {  	_ =	shalt  }
0x51: {  	_ =	shalt  }
0x52: {  	_ =	shalt  }
0x53: {  	_ =	shalt  }
0x54: {  	_ =	shalt  }
0x55: {  	_ =	shalt  }
0x56: {  	_ =	shalt  }
0x57: {  	_ =	shalt  }
0x58: {  	_ =	shalt  }
0x59: {  	_ =	shalt  }
0x5a: {  	_ =	shalt  }
0x5b: {  	_ =	shalt  }
0x5c: {  	_ =	shalt  }
0x5d: {  	_ =	shalt  }
0x5e: {  	_ =	shalt  }
0x5f: {  	_ =	shalt  }
0x60: {  	_ =	shalt  }
0x61: {  	_ =	shalt  }
0x62: {  	_ =	shalt  }
0x63: {  	_ =	shalt  }
0x64: {  	_ =	shalt  }
0x65: {  	_ =	shalt  }
0x66: {  	_ =	shalt  }
0x67: {  	_ =	shalt  }
0x68: {  	_ =	shalt  }
0x69: {  	_ =	shalt  }
0x6a: {  	_ =	shalt  }
0x6b: {  	_ =	shalt  }
0x6c: {  	_ =	shalt  }
0x6d: {  	_ =	shalt  }
0x6e: {  	_ =	shalt  }
0x6f: {  	_ =	shalt  }
0x70: {  	_ =	shalt  }
0x71: {  	_ =	shalt  }
0x72: {  	_ =	shalt  }
0x73: {  	_ =	shalt  }
0x74: {  	_ =	shalt  }
0x75: {  	_ =	shalt  }
0x76: {  	_ =	shalt  }
0x77: {  	_ =	shalt  }
0x78: {  	_ =	shalt  }
0x79: {  	_ =	shalt  }
0x7a: {  	_ =	shalt  }
0x7b: {  	_ =	shalt  }
0x7c: {  	_ =	shalt  }
0x7d: {  	_ =	shalt  }
0x7e: {  	_ =	shalt  }
0x7f: {  	_ =	shalt  }
0x80: {  	_ =	shalt  }
0x81: {  	_ =	shalt  }
0x82: {  	_ =	shalt  }
0x83: {  	_ =	shalt  }
0x84: {  	_ =	shalt  }
0x85: {  	_ =	shalt  }
0x86: {  	_ =	shalt  }
0x87: {  	_ =	shalt  }
.Lfunc_end0:
.L_simem_size_0:
called_computation_lowered:
.L_overlay_start_0:
0x88: {  	s2 =	sld [smem:$0x3FD9]  }
0x89: {  	s3 =	sld [smem:$0x3FFE];
	_ =	sdelay $0x1  }
0x8a: {  	s1 =	srdreg.scid  }
0x8b: {  	s0 =	sand.u32 $0x1, s1  }
0x8c: {  	s17 =	sshll.u32 s0, $0xA;
	s2 =	sadd.s32 s3, s2  }
0x8d: {  	s2 =	sadd.s32 s2, s17  }
0x8e: {  	[smem:$0x3FC0] =	sst s2  }
0x8f: {  	_ = 	snop  }
0x90: {  	s2 =	sld [smem:$0x3FD0];
	(tm) =	ssettm $0x1  }
0x91: {  	s18 =	sld [smem:$0x3FFB];
	_ =	sdelay $0x3  }
0x92: {  	_ =	strace s18  }
0x93: {  	s3 =	sld [smem:$0x3FFC];
	_ =	sdelay $0x3  }
0x94: {  	_ =	strace s3  }
0x95: {  	s3 =	sld [smem:$0x3FFD];
	_ =	sdelay $0x3  }
0x96: {  	_ =	strace s3  }
0x97: {  	_ =	strace $0x8FFFFFFF  }
0x98: {  	s19 =	sld [smem:$0x3FDB];
	_ =	sdelay $0x1  }
0x99: {  	s4 =	simm.s32 $_scs_section_size  }
0x9a: {  	s5 =	simm.s32 $_size__tile_overlayer_lowered;
	s6 =	simm.s32 $_tile_overlayer_lowered  }
0x9b: {  	s22 =	simm.s32 $0x1BFF;
	s21 =	sshll.u32 s6, $0x1;
	s3 =	sadd.s32 s4, s19  }
0x9c: {  	s7 =	simm.s32 $0x0;
	s20 =	sshll.u32 s5, $0x1;
	s5 =	sadd.s32 s21, s3  }
0x9d: {  	[timem:s7], [sflag:s22] =	dma.local [hbm:s5], s20  }
0x9e: {  	_ =	swait.ge [sflag:s22], s20  }
0x9f: {  	s4 =	ssub.s32 $0x0, s20;
	[sflag:s22] =	ssyncset.done $0x0  }
0xa0: {  	[sflag:s22] =	ssyncadd.s32 s4;
	_ =	sdelay $0x1  }
0xa1: {  	s23 =	simm.s32 $0x1B8B  }
0xa2: {  	_ =	swait.ge [sflag:s23], $0x1  }
0xa3: {  	[sflag:s23] =	ssyncset.done $0x0  }
0xa4: {  	s25 =	simm.s32 $0x1B8E;
	s24 =	sld [smem:$0x3FFE];
	[sflag:s23] =	ssyncadd.s32 $0xFFFFFFFF  }
0xa5: {  	s26 =	simm.s32 $execute0_lowered;
	[smem:$0x3FD2] =	sst s25  }
0xa6: {  	s5 =	sshll.u32 s26, $0x1;
	_ =	strace $0x80000046;
	[dreg:$0x1] =	wrdreg $0xFFFFFFFF  }
0xa7: {  	s28 =	simm.s32 $_size_execute0_lowered;
	s3 =	sadd.s32 s3, s5;
	[dreg:$0x0] =	wrdreg $0x0  }
0xa8: {  	s5 =	sshll.u32 s28, $0x1;
	[dreg:$0x2] =	wrdreg s3  }
0xa9: {  	[dreg:$0x3] =	wrdreg s5  }
0xaa: {  	[dreg:$0x4] =	wrdreg $0xC0  }
0xab: {  	_ =	task [dreg:s7], $0x5FFFF  }
0xac: {  	[dreg:$0x1] =	wrdreg $0xFFFFFFFF  }
0xad: {  	[dreg:$0x0] =	wrdreg $0x60  }
0xae: {  	[dreg:$0x2] =	wrdreg s24  }
0xaf: {  	[dreg:$0x3] =	wrdreg s2  }
0xb0: {  	[dreg:$0x4] =	wrdreg $0x9  }
0xb1: {  	_ =	task.clear_ibuf [dreg:s7], $0x5FFFF;
	_ =	strace $0x90000046  }
0xb2: {  	s29 =	simm.s32 $0x9;
	_ =	strace $0x80000048  }
0xb3: {  	_ =	swait.ge [sflag:s29], $0x1  }
0xb4: {  	[sflag:s29] =	ssyncadd.s32 $0xFFFFFFFF  }
0xb5: {  	_ =	strace $0x90000048  }
0xb6: {  	_ =	sfence  }
0xb7: {  	s30 =	sld [smem:$0x0];
	_ =	sdelay $0x2  }
0xb8: {  	s31 =	sshll.u32 s1, $0xD;
	s1 =	sshrl.u32 s1, $0x2  }
0xb9: {  	s3 =	sand.u32 $0x4000, s31;
	s1 =	sadd.s32 s1, s30  }
0xba: {  	s0 =	sor.u32 s3, s0;
	s1 =	sshll.u32 s1, $0x11  }
0xbb: {  	s0 =	sor.u32 s1, s0  }
0xbc: {  	s0 =	sadd.s32 $0x8F2B, s0  }
0xbd: {  	[sflag:s0] =	ssyncadd.remote.s32 $0x1  }
0xbe: {  	_ =	sfence.sel $0xFFFF  }
0xbf: {  	[dreg:$0x0] =	wrdreg $0xFFFFFFFF;
	(pc) =	sbr.abs _section_cstart, $3  }
0xc0: {  	[dreg:$0x1] =	wrdreg $0xFFFFFFFF  }
0xc1: {  	_ =	task.clear_ibuf [dreg:s7], $0x2FFFF;
	_ =	strace $0x9FFFFFFF  }
0xc2: {  	(tm) =	ssettm $0x7FFFFFFF  }
0xc3: {  	_ =	shalt  }
tec
execute0_lowered:
.L_overlay_start_1:
0x0: {  	(tag) =	ssettag $0x1  }
0x1: {  	s0 =	srdreg.scid  }
0x2: {  	s4 =	rddreg [dreg:$0x0];
	s3 =	sand.u32 $0x1, s0  }
0x3: {  	s5 =	rddreg [dreg:$0x1];
	s0 =	stileid.u32;
	s1 =	sshll.u32 s3, $0x4  }
0x4: {  	s2 =	simm.s32 $0x0;
	s9 =	simm.s32 $0x400;
	s6 =	sor.u32 s0, s1  }
0x5: {  	s10 =	simm.s32 $0x0;
	[smem:$0x7FF] =	sst s2;
	s7 =	sshrl.u32 s6, $0x3  }
0x6: {  	s8 =	sshll.u32 s0, $0x7;
	s3 =	ssub.s32 $0x2, s3;
	s7 =	smul.u32 $0x14000, s7  }
0x7: {  	s1 =	rddreg [dreg:$0x2];
	s8 =	sand.u32 $0x380, s8;
	s6 =	smul.u32 $0x500, s6  }
0x8: {  	_ =	strace $0x80000047;
	s31 =	sshrl.u32 s3, $0x1;
	s7 =	sor.u32 s8, s7  }
0x9: {  	s4 =	sadd.s32 s6, s4;
	s6 =	ssub.s32 s3, s31;
	s7 =	sshrl.u32 s7, $0x3  }
0xa: {  	s3 =	sadd.s32 $0xCA00, s4;
	s8 =	simm.s32 $0x80;
	s4 =	sadd.s32 s5, s7  }
0xb: {  	v0 =	vimm.f32 $0.0e+00;
	v1 =	vimm.f32 $1.000000000e+00;
	s5 =	smax.u32 s6, $0x1;
	s6 =	simm.s32 $0x1;
	s7 =	simm.s32 $0x2800  }
.LBB2_1:
0xc: {  	s11 =	simm.s32 $0x40;
	s12 =	simm.s32 $0x0  }
.LBB2_2:
0xd: {  	p0 =	sne.s32 s11, $0x9FC0;
	[tilespmem:s12+$0x2800] =	vst v0;
	s12 =	smov.u32 s11;
	s11 =	sadd.s32 $0x40, s11  }
.Ltmp0:
0xe: {  	(pc) =	sbr.rel @p0 .LBB2_2-.Ltmp0, $2  }
0xf: {  	_ =	sdelay $0x2  }
0x10: {  	s12 =	sshra.s32 s12, $0x2  }
0x11: {  	[tilespmem:s12+$0x2800] =	vst v0  }
0x12: {  	[tilespmem:s2], [sflag:$0x1] =	stream.linear.gather [hbm4b:s3+s2], $0x2800, $0x38;
	[tilespmem:$0x5000] =	vst v63  }
0x13: {  	_ =	swait.ge [sflag:s6], $0x2800  }
0x14: {  	[sflag:s6] =	ssyncset.done $0x0  }
0x15: {  	s11 =	simm.s32 $0x1C0;
	[sflag:s6] =	ssyncadd.s32 $0xFFFFD800  }
.LBB2_4:
0x16: {  	s12 =	sshra.s32 s11, $0x2  }
0x17: {  	v2 =	vld [tilespmem:s12+$0xFFFFFF90];
	_ =	sdelay $0x7  }
0x18: {  	[tilespmem:v2+s7+$0x0] =	vst.idx.add.f32.msk $0xffff, v1  }
0x19: {  	v2 =	vld [tilespmem:s12+$0xFFFFFFA0];
	_ =	sdelay $0x7  }
0x1a: {  	[tilespmem:v2+s7+$0x0] =	vst.idx.add.f32.msk $0xffff, v1  }
0x1b: {  	v2 =	vld [tilespmem:s12+$0xFFFFFFB0];
	_ =	sdelay $0x7  }
0x1c: {  	[tilespmem:v2+s7+$0x0] =	vst.idx.add.f32.msk $0xffff, v1  }
0x1d: {  	v2 =	vld [tilespmem:s12+$0xFFFFFFC0];
	_ =	sdelay $0x7  }
0x1e: {  	[tilespmem:v2+s7+$0x0] =	vst.idx.add.f32.msk $0xffff, v1  }
0x1f: {  	v2 =	vld [tilespmem:s12+$0xFFFFFFD0];
	_ =	sdelay $0x7  }
0x20: {  	[tilespmem:v2+s7+$0x0] =	vst.idx.add.f32.msk $0xffff, v1  }
0x21: {  	v2 =	vld [tilespmem:s12+$0xFFFFFFE0];
	_ =	sdelay $0x7  }
0x22: {  	[tilespmem:v2+s7+$0x0] =	vst.idx.add.f32.msk $0xffff, v1  }
0x23: {  	v2 =	vld [tilespmem:s12+$0xFFFFFFF0];
	_ =	sdelay $0x7  }
0x24: {  	[tilespmem:v2+s7+$0x0] =	vst.idx.add.f32.msk $0xffff, v1  }
0x25: {  	v2 =	vld [tilespmem:s12+$0x0];
	_ =	sdelay $0x2  }
0x26: {  	p0 =	sne.s32 s11, $0x9FC0  }
.Ltmp1:
0x27: {  	_ = 	snop;
	(pc) =	sbr.rel @p0 .LBB2_4-.Ltmp1, $2  }
0x28: {  	_ =	sdelay $0x2  }
0x29: {  	s11 =	sadd.s32 $0x200, s11;
	[tilespmem:v2+s7+$0x0] =	vst.idx.add.f32.msk $0xffff, v1  }
0x2a: {  	s10 =	sadd.s32 $0x1, s10  }
0x2b: {  	p0 =	sne.s32 s10, s5  }
.Ltmp2:
0x2c: {  	_ = 	snop;
	(pc) =	sbr.rel @p0 .LBB2_1-.Ltmp2, $4  }
0x2d: {  	[hbm4b:s4+s8] =	stream.strided.scatter [tilespmem:s7], [sflag:$0x1], $0x2800, s9, s8, $0x38;
	[tilespmem:$0x5000] =	vst v63  }
0x2e: {  	_ =	swait.ge [sflag:s6], $0x2800  }
0x2f: {  	[sflag:s6] =	ssyncset.done $0x0  }
0x30: {  	[sflag:s6] =	ssyncadd.s32 $0xFFFFD800  }
0x31: {  	_ =	sfence.sel $0x180000  }
0x32: {  	[bflag:$0x0] =	sbarrier.arrive $0xFFFF  }
0x33: {  	p0 =	sne.s32 s0, $0x0;
	_ =	strace $0x90000047  }
0x34: {  	s0 =	sadd.s32 @!p0 $0x100000, s1;
	[bflag:$0x2] =	sbarrier.arrive $0xFFFF  }
0x35: {  	[sflag:s0] =	ssyncadd.tile.s32 @!p0 $0x1;
	_ =	shalt  }
.Lfunc_end2:
_tile_overlayer_lowered:
.L_overlay_start_2:
0x36: {  	(tag) =	ssettag $0x2  }
0x37: {  	s0 =	rddreg [dreg:$0x0];
	s2 =	stileid.u32  }
0x38: {  	s1 =	rddreg [dreg:$0x1];
	p0 =	sne.s32 s2, $0x0  }
0x39: {  	s3 =	rddreg [dreg:$0x2];
	[bflag:$0x3] =	sbarrier.arrive $0xFFFF;
	s2 =	simm.s32 @!p0 $0x1C01  }
0x3a: {  	[timem:s3], [sflag:s2] =	dma.local @!p0 [hbm:s0], s1  }
0x3b: {  	s0 =	simm.s32 @!p0 $0x1  }
0x3c: {  	_ =	swait.ge @!p0 [sflag:s0], s1  }
0x3d: {  	s1 =	ssub.s32 @!p0 $0x0, s1;
	[sflag:s0] =	ssyncset.done @!p0 $0x0  }
0x3e: {  	[sflag:s0] =	ssyncadd.s32 @!p0 s1  }
0x3f: {  	[bflag:$0x3] =	sbarrier.arrive $0xFFFF  }
0x40: {  	_ =	shalt  }

</sc_bundles>
